<compile_context>
chip_gen: v7x
topology: tpu7x:2x2x1
jax: 0.10.2.dev20260603
libtpu: 0.0.44.dev20260713+nightly
codegen_flags: <defaults>
</compile_context>

<pallas_src>
import functools

import jax
import jax.numpy as jnp
from jax import lax
from jax.experimental import pallas as pl
from jax.experimental.pallas import tpu as pltpu
from jax.experimental.pallas import tpu_sc as plsc

_D_PAD = 128
_CHUNK = 128
_ROW_BLOCK = 1000


def _matmul_body(t_ref, w_ref, b_ref, o_ref):
    o_ref[...] = (
        jnp.dot(t_ref[...], w_ref[...], preferred_element_type=jnp.float32)
        + b_ref[...]
    ).astype(o_ref.dtype)


def _project_table(table, w_pad, b_pad):
    v, k = table.shape
    d = w_pad.shape[1]
    return pl.pallas_call(
        _matmul_body,
        grid=(v // _ROW_BLOCK,),
        in_specs=[
            pl.BlockSpec((_ROW_BLOCK, k), lambda i: (i, 0)),
            pl.BlockSpec((k, d), lambda i: (0, 0)),
            pl.BlockSpec((1, d), lambda i: (0, 0)),
        ],
        out_specs=pl.BlockSpec((_ROW_BLOCK, d), lambda i: (i, 0)),
        out_shape=jax.ShapeDtypeStruct((v, d), jnp.float32),
    )(table, w_pad, b_pad)


@functools.lru_cache(maxsize=None)
def _make_gather(n_workers, d, bsz, seq, seq_pad):
    mesh = plsc.VectorSubcoreMesh(core_axis_name="c", subcore_axis_name="s")
    num_cores = mesh.num_cores
    b_per_w = bsz // n_workers
    n_rows = b_per_w * seq
    n_chunks = n_rows // _CHUNK

    ready_after = [
        min(j for j in range(n_chunks)
            if bb * seq + seq_pad <= (j + 1) * _CHUNK or j == n_chunks - 1)
        for bb in range(b_per_w)
    ]

    @functools.partial(
        pl.kernel,
        out_type=jax.ShapeDtypeStruct((bsz, seq_pad, d), jnp.float32),
        mesh=mesh,
        scratch_types=[
            pltpu.VMEM((n_chunks, _CHUNK), jnp.int32),
            pltpu.VMEM((n_rows + seq_pad - seq, d), jnp.float32),
            [pltpu.SemaphoreType.DMA] * n_chunks,
            pltpu.SemaphoreType.DMA,
        ],
    )
    def gather(p_hbm, idx_hbm, out_hbm, idx_v, rows_v, sems, out_sem):
        wid = lax.axis_index("s") * num_cores + lax.axis_index("c")
        pltpu.sync_copy(idx_hbm.at[wid], idx_v)
        copies = [
            pltpu.async_copy(p_hbm.at[idx_v.at[j]],
                             rows_v.at[pl.ds(j * _CHUNK, _CHUNK)], sems[j])
            for j in range(n_chunks)
        ]
        b0 = wid * b_per_w
        writes = []
        for j in range(n_chunks):
            copies[j].wait()
            writes += [
                pltpu.async_copy(rows_v.at[pl.ds(bb * seq, seq_pad)],
                                 out_hbm.at[b0 + bb], out_sem)
                for bb in range(b_per_w)
                if ready_after[bb] == j
            ]
        for wr in writes:
            wr.wait()

    return gather


def kernel(input_ids, table, W, b):
    bsz, seq = input_ids.shape
    k, out_d = W.shape

    w_pad = jnp.zeros((k, _D_PAD), W.dtype).at[:, :out_d].set(W)
    b_pad = jnp.zeros((1, _D_PAD), b.dtype).at[0, :out_d].set(b)
    p = _project_table(table, w_pad, b_pad)

    n_workers = 32
    seq_pad = (seq + 7) // 8 * 8
    n = bsz * seq
    idx = input_ids.astype(jnp.int32).reshape(
        n_workers, n // (n_workers * _CHUNK), _CHUNK)

    rows = _make_gather(n_workers, _D_PAD, bsz, seq, seq_pad)(p, idx)
    return rows[:, :seq, :out_d]

# --- scband reference (transcript-rebuilt; emitter-appended) ---
"""Pipeline reference for scband-my-model-61933428409547 (READ-ONLY COPY).

The authoritative reference and input builder live on the scoring server;
editing this copy changes nothing except your own understanding.
"""

import jax, jax.numpy as jnp
import numpy as np

VOCAB = 10000
DIM = 4096
OUT = 10

def setup_inputs(seed: int = 0) -> dict:
    key = jax.random.key(seed)
    k1, k2, k3, k4 = jax.random.split(key, 4)
    input_ids = jax.random.randint(k1, (1024, 20), 0, VOCAB, dtype=jnp.int64 if jax.config.jax_enable_x64 else jnp.int32)
    table = jax.random.normal(k2, (VOCAB, DIM), dtype=jnp.float32)
    W = jax.random.normal(k3, (DIM, OUT), dtype=jnp.float32) * (1.0 / np.sqrt(DIM))
    b = jax.random.normal(k4, (OUT,), dtype=jnp.float32) * 0.01
    return {"input_ids": input_ids, "table": table, "W": W, "b": b}

def reference(input_ids, table, W, b):
    # nn.Embedding: gather rows of the table
    x = jnp.take(table, input_ids, axis=0)  # [B, L, DIM]
    # nn.Linear: x @ W + b
    out = jnp.dot(x, W) + b  # [B, L, OUT]
    return out

if __name__ == "__main__":
    import jax
    _d = setup_inputs()
    print(jax.jit(kernel)(*tuple(_d.values())))

</pallas_src>

<mosaic_0001>
#map = affine_map<(d0, d1) -> (0, 0)>
#map1 = affine_map<(d0, d1) -> (0, 0, 0)>
module attributes {stable_mosaic.version = 14 : i64} {
  func.func @gather(%arg0: i32, %arg1: i32, %arg2: memref<10000x128xf32, #tpu.memory_space<hbm>>, %arg3: memref<32x5x128xi32, #tpu.memory_space<hbm>>, %arg4: memref<1024x24x128xf32, #tpu.memory_space<hbm>>, %arg5: memref<5x128xi32, #tpu.memory_space<vmem>>, %arg6: memref<644x128xf32, #tpu.memory_space<vmem>>, %arg7: memref<!tpu.dma_semaphore, #tpu.memory_space<semaphore_mem>>, %arg8: memref<!tpu.dma_semaphore, #tpu.memory_space<semaphore_mem>>, %arg9: memref<!tpu.dma_semaphore, #tpu.memory_space<semaphore_mem>>, %arg10: memref<!tpu.dma_semaphore, #tpu.memory_space<semaphore_mem>>, %arg11: memref<!tpu.dma_semaphore, #tpu.memory_space<semaphore_mem>>, %arg12: memref<!tpu.dma_semaphore, #tpu.memory_space<semaphore_mem>>) attributes {dimension_semantics = [#tpu.dimension_semantics<core_parallel>, #tpu.dimension_semantics<subcore_parallel>], iteration_bounds = array<i64: 2, 16>, scalar_prefetch = 0 : i64, scratch_operands = 8 : i64, tpu.core_type = #tpu.core_type<sc_vector_subcore>, window_params = [{transform_indices = #map}, {transform_indices = #map1}, {transform_indices = #map1}]} {
    %mul3A = arith.constant 2 : i32
    %mul3A_0 = arith.muli %arg1, %mul3A : i32
    %add3A = arith.addi %mul3A_0, %arg0 : i32
    "tpu.region"() ({
      %run_scoped3A = tpu.sem_alloc : memref<!tpu.dma_semaphore, #tpu.memory_space<semaphore_mem>>
      %dma_start3A_1061 = arith.constant 0 : i32
      %dma_start3A_1062 = arith.constant 0 : i32
      %dma_start3A_1063 = tpu.memref_slice %arg3[%add3A, %dma_start3A_1061, %dma_start3A_1062] : memref<32x5x128xi32, #tpu.memory_space<hbm>> -> memref<1x5x128xi32, #tpu.memory_space<hbm>>
      %dma_start3A_1064 = tpu.memref_squeeze %dma_start3A_1063 : memref<1x5x128xi32, #tpu.memory_space<hbm>> -> memref<5x128xi32, #tpu.memory_space<hbm>>
      %dma_start3A_1065 = arith.constant 0 : i32
      %dma_start3A_1066 = arith.constant 0 : i32
      %dma_start3A_1067 = tpu.memref_slice %arg3[%add3A, %dma_start3A_1065, %dma_start3A_1066] : memref<32x5x128xi32, #tpu.memory_space<hbm>> -> memref<1x5x128xi32, #tpu.memory_space<hbm>>
      %dma_start3A_1068 = tpu.memref_squeeze %dma_start3A_1067 : memref<1x5x128xi32, #tpu.memory_space<hbm>> -> memref<5x128xi32, #tpu.memory_space<hbm>>
      tpu.enqueue_dma source(%dma_start3A_1068 : memref<5x128xi32, #tpu.memory_space<hbm>>) target(%arg5 : memref<5x128xi32, #tpu.memory_space<vmem>>) target_semaphore(%run_scoped3A : memref<!tpu.dma_semaphore, #tpu.memory_space<semaphore_mem>>)
      %dma_wait3A_1069 = arith.constant 0 : i32
      %dma_wait3A_1070 = arith.constant 0 : i32
      %dma_wait3A_1071 = tpu.memref_slice %arg3[%add3A, %dma_wait3A_1069, %dma_wait3A_1070] : memref<32x5x128xi32, #tpu.memory_space<hbm>> -> memref<1x5x128xi32, #tpu.memory_space<hbm>>
      %dma_wait3A_1072 = tpu.memref_squeeze %dma_wait3A_1071 : memref<1x5x128xi32, #tpu.memory_space<hbm>> -> memref<5x128xi32, #tpu.memory_space<hbm>>
      %dma_wait3A_1073 = arith.constant 0 : i32
      %dma_wait3A_1074 = arith.constant 0 : i32
      %dma_wait3A_1075 = tpu.memref_slice %arg3[%add3A, %dma_wait3A_1073, %dma_wait3A_1074] : memref<32x5x128xi32, #tpu.memory_space<hbm>> -> memref<1x5x128xi32, #tpu.memory_space<hbm>>
      %dma_wait3A_1076 = tpu.memref_squeeze %dma_wait3A_1075 : memref<1x5x128xi32, #tpu.memory_space<hbm>> -> memref<5x128xi32, #tpu.memory_space<hbm>>
      tpu.wait_dma2 semaphore(%run_scoped3A : memref<!tpu.dma_semaphore, #tpu.memory_space<semaphore_mem>>) src(%dma_wait3A_1076 : memref<5x128xi32, #tpu.memory_space<hbm>>) dst(%arg5 : memref<5x128xi32, #tpu.memory_space<vmem>>)
      tpu.yield
    }) : () -> ()
    %dma_start3A = arith.constant 0 : i32
    %dma_start3A_1 = arith.constant 0 : i32
    %dma_start3A_2 = arith.constant 0 : i32
    %dma_start3A_3 = tpu.memref_slice %arg6[%dma_start3A_1, %dma_start3A_2] : memref<644x128xf32, #tpu.memory_space<vmem>> -> memref<128x128xf32, #tpu.memory_space<vmem>>
    %dma_start3A_4 = arith.constant 0 : i32
    %dma_start3A_5 = tpu.memref_slice %arg5[%dma_start3A, %dma_start3A_4] : memref<5x128xi32, #tpu.memory_space<vmem>> -> memref<1x128xi32, #tpu.memory_space<vmem>>
    %dma_start3A_6 = tpu.memref_squeeze %dma_start3A_5 : memref<1x128xi32, #tpu.memory_space<vmem>> -> memref<128xi32, #tpu.memory_space<vmem>>
    %dma_start3A_7 = arith.constant 0 : i32
    %dma_start3A_8 = arith.constant 0 : i32
    %dma_start3A_9 = tpu.memref_slice %arg2[%dma_start3A_7, %dma_start3A_8] : memref<10000x128xf32, #tpu.memory_space<hbm>> -> memref<10000x128xf32, #tpu.memory_space<hbm>>
    tpu.enqueue_indirect_dma source(%dma_start3A_9 : memref<10000x128xf32, #tpu.memory_space<hbm>>) target(%dma_start3A_3 : memref<128x128xf32, #tpu.memory_space<vmem>>) offsets(%dma_start3A_6 : memref<128xi32, #tpu.memory_space<vmem>>) semaphore(%arg7 : memref<!tpu.dma_semaphore, #tpu.memory_space<semaphore_mem>>)
    %dma_start3A_10 = arith.constant 1 : i32
    %dma_start3A_11 = arith.constant 128 : i32
    %dma_start3A_12 = arith.constant 0 : i32
    %dma_start3A_13 = tpu.memref_slice %arg6[%dma_start3A_11, %dma_start3A_12] : memref<644x128xf32, #tpu.memory_space<vmem>> -> memref<128x128xf32, #tpu.memory_space<vmem>>
    %dma_start3A_14 = arith.constant 0 : i32
    %dma_start3A_15 = tpu.memref_slice %arg5[%dma_start3A_10, %dma_start3A_14] : memref<5x128xi32, #tpu.memory_space<vmem>> -> memref<1x128xi32, #tpu.memory_space<vmem>>
    %dma_start3A_16 = tpu.memref_squeeze %dma_start3A_15 : memref<1x128xi32, #tpu.memory_space<vmem>> -> memref<128xi32, #tpu.memory_space<vmem>>
    %dma_start3A_17 = arith.constant 0 : i32
    %dma_start3A_18 = arith.constant 0 : i32
    %dma_start3A_19 = tpu.memref_slice %arg2[%dma_start3A_17, %dma_start3A_18] : memref<10000x128xf32, #tpu.memory_space<hbm>> -> memref<10000x128xf32, #tpu.memory_space<hbm>>
    tpu.enqueue_indirect_dma source(%dma_start3A_19 : memref<10000x128xf32, #tpu.memory_space<hbm>>) target(%dma_start3A_13 : memref<128x128xf32, #tpu.memory_space<vmem>>) offsets(%dma_start3A_16 : memref<128xi32, #tpu.memory_space<vmem>>) semaphore(%arg8 : memref<!tpu.dma_semaphore, #tpu.memory_space<semaphore_mem>>)
    %dma_start3A_20 = arith.constant 2 : i32
    %dma_start3A_21 = arith.constant 256 : i32
    %dma_start3A_22 = arith.constant 0 : i32
    %dma_start3A_23 = tpu.memref_slice %arg6[%dma_start3A_21, %dma_start3A_22] : memref<644x128xf32, #tpu.memory_space<vmem>> -> memref<128x128xf32, #tpu.memory_space<vmem>>
    %dma_start3A_24 = arith.constant 0 : i32
    %dma_start3A_25 = tpu.memref_slice %arg5[%dma_start3A_20, %dma_start3A_24] : memref<5x128xi32, #tpu.memory_space<vmem>> -> memref<1x128xi32, #tpu.memory_space<vmem>>
    %dma_start3A_26 = tpu.memref_squeeze %dma_start3A_25 : memref<1x128xi32, #tpu.memory_space<vmem>> -> memref<128xi32, #tpu.memory_space<vmem>>
    %dma_start3A_27 = arith.constant 0 : i32
    %dma_start3A_28 = arith.constant 0 : i32
    %dma_start3A_29 = tpu.memref_slice %arg2[%dma_start3A_27, %dma_start3A_28] : memref<10000x128xf32, #tpu.memory_space<hbm>> -> memref<10000x128xf32, #tpu.memory_space<hbm>>
    tpu.enqueue_indirect_dma source(%dma_start3A_29 : memref<10000x128xf32, #tpu.memory_space<hbm>>) target(%dma_start3A_23 : memref<128x128xf32, #tpu.memory_space<vmem>>) offsets(%dma_start3A_26 : memref<128xi32, #tpu.memory_space<vmem>>) semaphore(%arg9 : memref<!tpu.dma_semaphore, #tpu.memory_space<semaphore_mem>>)
    %dma_start3A_30 = arith.constant 3 : i32
    %dma_start3A_31 = arith.constant 384 : i32
    %dma_start3A_32 = arith.constant 0 : i32
    %dma_start3A_33 = tpu.memref_slice %arg6[%dma_start3A_31, %dma_start3A_32] : memref<644x128xf32, #tpu.memory_space<vmem>> -> memref<128x128xf32, #tpu.memory_space<vmem>>
    %dma_start3A_34 = arith.constant 0 : i32
    %dma_start3A_35 = tpu.memref_slice %arg5[%dma_start3A_30, %dma_start3A_34] : memref<5x128xi32, #tpu.memory_space<vmem>> -> memref<1x128xi32, #tpu.memory_space<vmem>>
    %dma_start3A_36 = tpu.memref_squeeze %dma_start3A_35 : memref<1x128xi32, #tpu.memory_space<vmem>> -> memref<128xi32, #tpu.memory_space<vmem>>
    %dma_start3A_37 = arith.constant 0 : i32
    %dma_start3A_38 = arith.constant 0 : i32
    %dma_start3A_39 = tpu.memref_slice %arg2[%dma_start3A_37, %dma_start3A_38] : memref<10000x128xf32, #tpu.memory_space<hbm>> -> memref<10000x128xf32, #tpu.memory_space<hbm>>
    tpu.enqueue_indirect_dma source(%dma_start3A_39 : memref<10000x128xf32, #tpu.memory_space<hbm>>) target(%dma_start3A_33 : memref<128x128xf32, #tpu.memory_space<vmem>>) offsets(%dma_start3A_36 : memref<128xi32, #tpu.memory_space<vmem>>) semaphore(%arg10 : memref<!tpu.dma_semaphore, #tpu.memory_space<semaphore_mem>>)
    %dma_start3A_40 = arith.constant 4 : i32
    %dma_start3A_41 = arith.constant 512 : i32
    %dma_start3A_42 = arith.constant 0 : i32
    %dma_start3A_43 = tpu.memref_slice %arg6[%dma_start3A_41, %dma_start3A_42] : memref<644x128xf32, #tpu.memory_space<vmem>> -> memref<128x128xf32, #tpu.memory_space<vmem>>
    %dma_start3A_44 = arith.constant 0 : i32
    %dma_start3A_45 = tpu.memref_slice %arg5[%dma_start3A_40, %dma_start3A_44] : memref<5x128xi32, #tpu.memory_space<vmem>> -> memref<1x128xi32, #tpu.memory_space<vmem>>
    %dma_start3A_46 = tpu.memref_squeeze %dma_start3A_45 : memref<1x128xi32, #tpu.memory_space<vmem>> -> memref<128xi32, #tpu.memory_space<vmem>>
    %dma_start3A_47 = arith.constant 0 : i32
    %dma_start3A_48 = arith.constant 0 : i32
    %dma_start3A_49 = tpu.memref_slice %arg2[%dma_start3A_47, %dma_start3A_48] : memref<10000x128xf32, #tpu.memory_space<hbm>> -> memref<10000x128xf32, #tpu.memory_space<hbm>>
    tpu.enqueue_indirect_dma source(%dma_start3A_49 : memref<10000x128xf32, #tpu.memory_space<hbm>>) target(%dma_start3A_43 : memref<128x128xf32, #tpu.memory_space<vmem>>) offsets(%dma_start3A_46 : memref<128xi32, #tpu.memory_space<vmem>>) semaphore(%arg11 : memref<!tpu.dma_semaphore, #tpu.memory_space<semaphore_mem>>)
    %mul3A_50 = arith.constant 32 : i32
    %mul3A_51 = arith.muli %add3A, %mul3A_50 : i32
    %dma_wait3A = arith.constant 0 : i32
    %dma_wait3A_52 = arith.constant 0 : i32
    %dma_wait3A_53 = arith.constant 0 : i32
    %dma_wait3A_54 = tpu.memref_slice %arg6[%dma_wait3A_52, %dma_wait3A_53] : memref<644x128xf32, #tpu.memory_space<vmem>> -> memref<128x128xf32, #tpu.memory_space<vmem>>
    %dma_wait3A_55 = arith.constant 0 : i32
    %dma_wait3A_56 = tpu.memref_slice %arg5[%dma_wait3A, %dma_wait3A_55] : memref<5x128xi32, #tpu.memory_space<vmem>> -> memref<1x128xi32, #tpu.memory_space<vmem>>
    %dma_wait3A_57 = tpu.memref_squeeze %dma_wait3A_56 : memref<1x128xi32, #tpu.memory_space<vmem>> -> memref<128xi32, #tpu.memory_space<vmem>>
    %dma_wait3A_58 = arith.constant 0 : i32
    %dma_wait3A_59 = arith.constant 0 : i32
    %dma_wait3A_60 = tpu.memref_slice %arg2[%dma_wait3A_58, %dma_wait3A_59] : memref<10000x128xf32, #tpu.memory_space<hbm>> -> memref<10000x128xf32, #tpu.memory_space<hbm>>
    tpu.wait_indirect_dma semaphore(%arg7 : memref<!tpu.dma_semaphore, #tpu.memory_space<semaphore_mem>>) src(%dma_wait3A_60 : memref<10000x128xf32, #tpu.memory_space<hbm>>) dst(%dma_wait3A_54 : memref<128x128xf32, #tpu.memory_space<vmem>>)
    %add3A_61 = arith.constant 0 : i32
    %add3A_62 = arith.addi %mul3A_51, %add3A_61 : i32
    %dma_start3A_63 = arith.constant 0 : i32
    %dma_start3A_64 = arith.constant 0 : i32
    %dma_start3A_65 = tpu.memref_slice %arg6[%dma_start3A_63, %dma_start3A_64] : memref<644x128xf32, #tpu.memory_space<vmem>> -> memref<24x128xf32, #tpu.memory_space<vmem>>
    %dma_start3A_66 = arith.constant 0 : i32
    %dma_start3A_67 = arith.constant 0 : i32
    %dma_start3A_68 = tpu.memref_slice %arg4[%add3A_62, %dma_start3A_66, %dma_start3A_67] : memref<1024x24x128xf32, #tpu.memory_space<hbm>> -> memref<1x24x128xf32, #tpu.memory_space<hbm>>
    %dma_start3A_69 = tpu.memref_squeeze %dma_start3A_68 : memref<1x24x128xf32, #tpu.memory_space<hbm>> -> memref<24x128xf32, #tpu.memory_space<hbm>>
    %dma_start3A_70 = arith.constant 0 : i32
    %dma_start3A_71 = arith.constant 0 : i32
    %dma_start3A_72 = tpu.memref_slice %arg4[%add3A_62, %dma_start3A_70, %dma_start3A_71] : memref<1024x24x128xf32, #tpu.memory_space<hbm>> -> memref<1x24x128xf32, #tpu.memory_space<hbm>>
    %dma_start3A_73 = tpu.memref_squeeze %dma_start3A_72 : memref<1x24x128xf32, #tpu.memory_space<hbm>> -> memref<24x128xf32, #tpu.memory_space<hbm>>
    %dma_start3A_74 = arith.constant 0 : i32
    %dma_start3A_75 = arith.constant 0 : i32
    %dma_start3A_76 = tpu.memref_slice %arg6[%dma_start3A_74, %dma_start3A_75] : memref<644x128xf32, #tpu.memory_space<vmem>> -> memref<24x128xf32, #tpu.memory_space<vmem>>
    tpu.enqueue_dma source(%dma_start3A_76 : memref<24x128xf32, #tpu.memory_space<vmem>>) target(%dma_start3A_73 : memref<24x128xf32, #tpu.memory_space<hbm>>) target_semaphore(%arg12 : memref<!tpu.dma_semaphore, #tpu.memory_space<semaphore_mem>>)
    %add3A_77 = arith.constant 1 : i32
    %add3A_78 = arith.addi %mul3A_51, %add3A_77 : i32
    %dma_start3A_79 = arith.constant 20 : i32
    %dma_start3A_80 = arith.constant 0 : i32
    %dma_start3A_81 = tpu.memref_slice %arg6[%dma_start3A_79, %dma_start3A_80] : memref<644x128xf32, #tpu.memory_space<vmem>> -> memref<24x128xf32, #tpu.memory_space<vmem>>
    %dma_start3A_82 = arith.constant 0 : i32
    %dma_start3A_83 = arith.constant 0 : i32
    %dma_start3A_84 = tpu.memref_slice %arg4[%add3A_78, %dma_start3A_82, %dma_start3A_83] : memref<1024x24x128xf32, #tpu.memory_space<hbm>> -> memref<1x24x128xf32, #tpu.memory_space<hbm>>
    %dma_start3A_85 = tpu.memref_squeeze %dma_start3A_84 : memref<1x24x128xf32, #tpu.memory_space<hbm>> -> memref<24x128xf32, #tpu.memory_space<hbm>>
    %dma_start3A_86 = arith.constant 0 : i32
    %dma_start3A_87 = arith.constant 0 : i32
    %dma_start3A_88 = tpu.memref_slice %arg4[%add3A_78, %dma_start3A_86, %dma_start3A_87] : memref<1024x24x128xf32, #tpu.memory_space<hbm>> -> memref<1x24x128xf32, #tpu.memory_space<hbm>>
    %dma_start3A_89 = tpu.memref_squeeze %dma_start3A_88 : memref<1x24x128xf32, #tpu.memory_space<hbm>> -> memref<24x128xf32, #tpu.memory_space<hbm>>
    %dma_start3A_90 = arith.constant 20 : i32
    %dma_start3A_91 = arith.constant 0 : i32
    %dma_start3A_92 = tpu.memref_slice %arg6[%dma_start3A_90, %dma_start3A_91] : memref<644x128xf32, #tpu.memory_space<vmem>> -> memref<24x128xf32, #tpu.memory_space<vmem>>
    tpu.enqueue_dma source(%dma_start3A_92 : memref<24x128xf32, #tpu.memory_space<vmem>>) target(%dma_start3A_89 : memref<24x128xf32, #tpu.memory_space<hbm>>) target_semaphore(%arg12 : memref<!tpu.dma_semaphore, #tpu.memory_space<semaphore_mem>>)
    %add3A_93 = arith.constant 2 : i32
    %add3A_94 = arith.addi %mul3A_51, %add3A_93 : i32
    %dma_start3A_95 = arith.constant 40 : i32
    %dma_start3A_96 = arith.constant 0 : i32
    %dma_start3A_97 = tpu.memref_slice %arg6[%dma_start3A_95, %dma_start3A_96] : memref<644x128xf32, #tpu.memory_space<vmem>> -> memref<24x128xf32, #tpu.memory_space<vmem>>
    %dma_start3A_98 = arith.constant 0 : i32
    %dma_start3A_99 = arith.constant 0 : i32
    %dma_start3A_100 = tpu.memref_slice %arg4[%add3A_94, %dma_start3A_98, %dma_start3A_99] : memref<1024x24x128xf32, #tpu.memory_space<hbm>> -> memref<1x24x128xf32, #tpu.memory_space<hbm>>
    %dma_start3A_101 = tpu.memref_squeeze %dma_start3A_100 : memref<1x24x128xf32, #tpu.memory_space<hbm>> -> memref<24x128xf32, #tpu.memory_space<hbm>>
    %dma_start3A_102 = arith.constant 0 : i32
    %dma_start3A_103 = arith.constant 0 : i32
    %dma_start3A_104 = tpu.memref_slice %arg4[%add3A_94, %dma_start3A_102, %dma_start3A_103] : memref<1024x24x128xf32, #tpu.memory_space<hbm>> -> memref<1x24x128xf32, #tpu.memory_space<hbm>>
    %dma_start3A_105 = tpu.memref_squeeze %dma_start3A_104 : memref<1x24x128xf32, #tpu.memory_space<hbm>> -> memref<24x128xf32, #tpu.memory_space<hbm>>
    %dma_start3A_106 = arith.constant 40 : i32
    %dma_start3A_107 = arith.constant 0 : i32
    %dma_start3A_108 = tpu.memref_slice %arg6[%dma_start3A_106, %dma_start3A_107] : memref<644x128xf32, #tpu.memory_space<vmem>> -> memref<24x128xf32, #tpu.memory_space<vmem>>
    tpu.enqueue_dma source(%dma_start3A_108 : memref<24x128xf32, #tpu.memory_space<vmem>>) target(%dma_start3A_105 : memref<24x128xf32, #tpu.memory_space<hbm>>) target_semaphore(%arg12 : memref<!tpu.dma_semaphore, #tpu.memory_space<semaphore_mem>>)
    %add3A_109 = arith.constant 3 : i32
    %add3A_110 = arith.addi %mul3A_51, %add3A_109 : i32
    %dma_start3A_111 = arith.constant 60 : i32
    %dma_start3A_112 = arith.constant 0 : i32
    %dma_start3A_113 = tpu.memref_slice %arg6[%dma_start3A_111, %dma_start3A_112] : memref<644x128xf32, #tpu.memory_space<vmem>> -> memref<24x128xf32, #tpu.memory_space<vmem>>
    %dma_start3A_114 = arith.constant 0 : i32
    %dma_start3A_115 = arith.constant 0 : i32
    %dma_start3A_116 = tpu.memref_slice %arg4[%add3A_110, %dma_start3A_114, %dma_start3A_115] : memref<1024x24x128xf32, #tpu.memory_space<hbm>> -> memref<1x24x128xf32, #tpu.memory_space<hbm>>
    %dma_start3A_117 = tpu.memref_squeeze %dma_start3A_116 : memref<1x24x128xf32, #tpu.memory_space<hbm>> -> memref<24x128xf32, #tpu.memory_space<hbm>>
    %dma_start3A_118 = arith.constant 0 : i32
    %dma_start3A_119 = arith.constant 0 : i32
    %dma_start3A_120 = tpu.memref_slice %arg4[%add3A_110, %dma_start3A_118, %dma_start3A_119] : memref<1024x24x128xf32, #tpu.memory_space<hbm>> -> memref<1x24x128xf32, #tpu.memory_space<hbm>>
    %dma_start3A_121 = tpu.memref_squeeze %dma_start3A_120 : memref<1x24x128xf32, #tpu.memory_space<hbm>> -> memref<24x128xf32, #tpu.memory_space<hbm>>
    %dma_start3A_122 = arith.constant 60 : i32
    %dma_start3A_123 = arith.constant 0 : i32
    %dma_start3A_124 = tpu.memref_slice %arg6[%dma_start3A_122, %dma_start3A_123] : memref<644x128xf32, #tpu.memory_space<vmem>> -> memref<24x128xf32, #tpu.memory_space<vmem>>
    tpu.enqueue_dma source(%dma_start3A_124 : memref<24x128xf32, #tpu.memory_space<vmem>>) target(%dma_start3A_121 : memref<24x128xf32, #tpu.memory_space<hbm>>) target_semaphore(%arg12 : memref<!tpu.dma_semaphore, #tpu.memory_space<semaphore_mem>>)
    %add3A_125 = arith.constant 4 : i32
    %add3A_126 = arith.addi %mul3A_51, %add3A_125 : i32
    %dma_start3A_127 = arith.constant 80 : i32
    %dma_start3A_128 = arith.constant 0 : i32
    %dma_start3A_129 = tpu.memref_slice %arg6[%dma_start3A_127, %dma_start3A_128] : memref<644x128xf32, #tpu.memory_space<vmem>> -> memref<24x128xf32, #tpu.memory_space<vmem>>
    %dma_start3A_130 = arith.constant 0 : i32
    %dma_start3A_131 = arith.constant 0 : i32
    %dma_start3A_132 = tpu.memref_slice %arg4[%add3A_126, %dma_start3A_130, %dma_start3A_131] : memref<1024x24x128xf32, #tpu.memory_space<hbm>> -> memref<1x24x128xf32, #tpu.memory_space<hbm>>
    %dma_start3A_133 = tpu.memref_squeeze %dma_start3A_132 : memref<1x24x128xf32, #tpu.memory_space<hbm>> -> memref<24x128xf32, #tpu.memory_space<hbm>>
    %dma_start3A_134 = arith.constant 0 : i32
    %dma_start3A_135 = arith.constant 0 : i32
    %dma_start3A_136 = tpu.memref_slice %arg4[%add3A_126, %dma_start3A_134, %dma_start3A_135] : memref<1024x24x128xf32, #tpu.memory_space<hbm>> -> memref<1x24x128xf32, #tpu.memory_space<hbm>>
    %dma_start3A_137 = tpu.memref_squeeze %dma_start3A_136 : memref<1x24x128xf32, #tpu.memory_space<hbm>> -> memref<24x128xf32, #tpu.memory_space<hbm>>
    %dma_start3A_138 = arith.constant 80 : i32
    %dma_start3A_139 = arith.constant 0 : i32
    %dma_start3A_140 = tpu.memref_slice %arg6[%dma_start3A_138, %dma_start3A_139] : memref<644x128xf32, #tpu.memory_space<vmem>> -> memref<24x128xf32, #tpu.memory_space<vmem>>
    tpu.enqueue_dma source(%dma_start3A_140 : memref<24x128xf32, #tpu.memory_space<vmem>>) target(%dma_start3A_137 : memref<24x128xf32, #tpu.memory_space<hbm>>) target_semaphore(%arg12 : memref<!tpu.dma_semaphore, #tpu.memory_space<semaphore_mem>>)
    %add3A_141 = arith.constant 5 : i32
    %add3A_142 = arith.addi %mul3A_51, %add3A_141 : i32
    %dma_start3A_143 = arith.constant 100 : i32
    %dma_start3A_144 = arith.constant 0 : i32
    %dma_start3A_145 = tpu.memref_slice %arg6[%dma_start3A_143, %dma_start3A_144] : memref<644x128xf32, #tpu.memory_space<vmem>> -> memref<24x128xf32, #tpu.memory_space<vmem>>
    %dma_start3A_146 = arith.constant 0 : i32
    %dma_start3A_147 = arith.constant 0 : i32
    %dma_start3A_148 = tpu.memref_slice %arg4[%add3A_142, %dma_start3A_146, %dma_start3A_147] : memref<1024x24x128xf32, #tpu.memory_space<hbm>> -> memref<1x24x128xf32, #tpu.memory_space<hbm>>
    %dma_start3A_149 = tpu.memref_squeeze %dma_start3A_148 : memref<1x24x128xf32, #tpu.memory_space<hbm>> -> memref<24x128xf32, #tpu.memory_space<hbm>>
    %dma_start3A_150 = arith.constant 0 : i32
    %dma_start3A_151 = arith.constant 0 : i32
    %dma_start3A_152 = tpu.memref_slice %arg4[%add3A_142, %dma_start3A_150, %dma_start3A_151] : memref<1024x24x128xf32, #tpu.memory_space<hbm>> -> memref<1x24x128xf32, #tpu.memory_space<hbm>>
    %dma_start3A_153 = tpu.memref_squeeze %dma_start3A_152 : memref<1x24x128xf32, #tpu.memory_space<hbm>> -> memref<24x128xf32, #tpu.memory_space<hbm>>
    %dma_start3A_154 = arith.constant 100 : i32
    %dma_start3A_155 = arith.constant 0 : i32
    %dma_start3A_156 = tpu.memref_slice %arg6[%dma_start3A_154, %dma_start3A_155] : memref<644x128xf32, #tpu.memory_space<vmem>> -> memref<24x128xf32, #tpu.memory_space<vmem>>
    tpu.enqueue_dma source(%dma_start3A_156 : memref<24x128xf32, #tpu.memory_space<vmem>>) target(%dma_start3A_153 : memref<24x128xf32, #tpu.memory_space<hbm>>) target_semaphore(%arg12 : memref<!tpu.dma_semaphore, #tpu.memory_space<semaphore_mem>>)
    %dma_wait3A_157 = arith.constant 1 : i32
    %dma_wait3A_158 = arith.constant 128 : i32
    %dma_wait3A_159 = arith.constant 0 : i32
    %dma_wait3A_160 = tpu.memref_slice %arg6[%dma_wait3A_158, %dma_wait3A_159] : memref<644x128xf32, #tpu.memory_space<vmem>> -> memref<128x128xf32, #tpu.memory_space<vmem>>
    %dma_wait3A_161 = arith.constant 0 : i32
    %dma_wait3A_162 = tpu.memref_slice %arg5[%dma_wait3A_157, %dma_wait3A_161] : memref<5x128xi32, #tpu.memory_space<vmem>> -> memref<1x128xi32, #tpu.memory_space<vmem>>
    %dma_wait3A_163 = tpu.memref_squeeze %dma_wait3A_162 : memref<1x128xi32, #tpu.memory_space<vmem>> -> memref<128xi32, #tpu.memory_space<vmem>>
    %dma_wait3A_164 = arith.constant 0 : i32
    %dma_wait3A_165 = arith.constant 0 : i32
    %dma_wait3A_166 = tpu.memref_slice %arg2[%dma_wait3A_164, %dma_wait3A_165] : memref<10000x128xf32, #tpu.memory_space<hbm>> -> memref<10000x128xf32, #tpu.memory_space<hbm>>
    tpu.wait_indirect_dma semaphore(%arg8 : memref<!tpu.dma_semaphore, #tpu.memory_space<semaphore_mem>>) src(%dma_wait3A_166 : memref<10000x128xf32, #tpu.memory_space<hbm>>) dst(%dma_wait3A_160 : memref<128x128xf32, #tpu.memory_space<vmem>>)
    %add3A_167 = arith.constant 6 : i32
    %add3A_168 = arith.addi %mul3A_51, %add3A_167 : i32
    %dma_start3A_169 = arith.constant 120 : i32
    %dma_start3A_170 = arith.constant 0 : i32
    %dma_start3A_171 = tpu.memref_slice %arg6[%dma_start3A_169, %dma_start3A_170] : memref<644x128xf32, #tpu.memory_space<vmem>> -> memref<24x128xf32, #tpu.memory_space<vmem>>
    %dma_start3A_172 = arith.constant 0 : i32
    %dma_start3A_173 = arith.constant 0 : i32
    %dma_start3A_174 = tpu.memref_slice %arg4[%add3A_168, %dma_start3A_172, %dma_start3A_173] : memref<1024x24x128xf32, #tpu.memory_space<hbm>> -> memref<1x24x128xf32, #tpu.memory_space<hbm>>
    %dma_start3A_175 = tpu.memref_squeeze %dma_start3A_174 : memref<1x24x128xf32, #tpu.memory_space<hbm>> -> memref<24x128xf32, #tpu.memory_space<hbm>>
    %dma_start3A_176 = arith.constant 0 : i32
    %dma_start3A_177 = arith.constant 0 : i32
    %dma_start3A_178 = tpu.memref_slice %arg4[%add3A_168, %dma_start3A_176, %dma_start3A_177] : memref<1024x24x128xf32, #tpu.memory_space<hbm>> -> memref<1x24x128xf32, #tpu.memory_space<hbm>>
    %dma_start3A_179 = tpu.memref_squeeze %dma_start3A_178 : memref<1x24x128xf32, #tpu.memory_space<hbm>> -> memref<24x128xf32, #tpu.memory_space<hbm>>
    %dma_start3A_180 = arith.constant 120 : i32
    %dma_start3A_181 = arith.constant 0 : i32
    %dma_start3A_182 = tpu.memref_slice %arg6[%dma_start3A_180, %dma_start3A_181] : memref<644x128xf32, #tpu.memory_space<vmem>> -> memref<24x128xf32, #tpu.memory_space<vmem>>
    tpu.enqueue_dma source(%dma_start3A_182 : memref<24x128xf32, #tpu.memory_space<vmem>>) target(%dma_start3A_179 : memref<24x128xf32, #tpu.memory_space<hbm>>) target_semaphore(%arg12 : memref<!tpu.dma_semaphore, #tpu.memory_space<semaphore_mem>>)
    %add3A_183 = arith.constant 7 : i32
    %add3A_184 = arith.addi %mul3A_51, %add3A_183 : i32
    %dma_start3A_185 = arith.constant 140 : i32
    %dma_start3A_186 = arith.constant 0 : i32
    %dma_start3A_187 = tpu.memref_slice %arg6[%dma_start3A_185, %dma_start3A_186] : memref<644x128xf32, #tpu.memory_space<vmem>> -> memref<24x128xf32, #tpu.memory_space<vmem>>
    %dma_start3A_188 = arith.constant 0 : i32
    %dma_start3A_189 = arith.constant 0 : i32
    %dma_start3A_190 = tpu.memref_slice %arg4[%add3A_184, %dma_start3A_188, %dma_start3A_189] : memref<1024x24x128xf32, #tpu.memory_space<hbm>> -> memref<1x24x128xf32, #tpu.memory_space<hbm>>
    %dma_start3A_191 = tpu.memref_squeeze %dma_start3A_190 : memref<1x24x128xf32, #tpu.memory_space<hbm>> -> memref<24x128xf32, #tpu.memory_space<hbm>>
    %dma_start3A_192 = arith.constant 0 : i32
    %dma_start3A_193 = arith.constant 0 : i32
    %dma_start3A_194 = tpu.memref_slice %arg4[%add3A_184, %dma_start3A_192, %dma_start3A_193] : memref<1024x24x128xf32, #tpu.memory_space<hbm>> -> memref<1x24x128xf32, #tpu.memory_space<hbm>>
    %dma_start3A_195 = tpu.memref_squeeze %dma_start3A_194 : memref<1x24x128xf32, #tpu.memory_space<hbm>> -> memref<24x128xf32, #tpu.memory_space<hbm>>
    %dma_start3A_196 = arith.constant 140 : i32
    %dma_start3A_197 = arith.constant 0 : i32
    %dma_start3A_198 = tpu.memref_slice %arg6[%dma_start3A_196, %dma_start3A_197] : memref<644x128xf32, #tpu.memory_space<vmem>> -> memref<24x128xf32, #tpu.memory_space<vmem>>
    tpu.enqueue_dma source(%dma_start3A_198 : memref<24x128xf32, #tpu.memory_space<vmem>>) target(%dma_start3A_195 : memref<24x128xf32, #tpu.memory_space<hbm>>) target_semaphore(%arg12 : memref<!tpu.dma_semaphore, #tpu.memory_space<semaphore_mem>>)
    %add3A_199 = arith.constant 8 : i32
    %add3A_200 = arith.addi %mul3A_51, %add3A_199 : i32
    %dma_start3A_201 = arith.constant 160 : i32
    %dma_start3A_202 = arith.constant 0 : i32
    %dma_start3A_203 = tpu.memref_slice %arg6[%dma_start3A_201, %dma_start3A_202] : memref<644x128xf32, #tpu.memory_space<vmem>> -> memref<24x128xf32, #tpu.memory_space<vmem>>
    %dma_start3A_204 = arith.constant 0 : i32
    %dma_start3A_205 = arith.constant 0 : i32
    %dma_start3A_206 = tpu.memref_slice %arg4[%add3A_200, %dma_start3A_204, %dma_start3A_205] : memref<1024x24x128xf32, #tpu.memory_space<hbm>> -> memref<1x24x128xf32, #tpu.memory_space<hbm>>
    %dma_start3A_207 = tpu.memref_squeeze %dma_start3A_206 : memref<1x24x128xf32, #tpu.memory_space<hbm>> -> memref<24x128xf32, #tpu.memory_space<hbm>>
    %dma_start3A_208 = arith.constant 0 : i32
    %dma_start3A_209 = arith.constant 0 : i32
    %dma_start3A_210 = tpu.memref_slice %arg4[%add3A_200, %dma_start3A_208, %dma_start3A_209] : memref<1024x24x128xf32, #tpu.memory_space<hbm>> -> memref<1x24x128xf32, #tpu.memory_space<hbm>>
    %dma_start3A_211 = tpu.memref_squeeze %dma_start3A_210 : memref<1x24x128xf32, #tpu.memory_space<hbm>> -> memref<24x128xf32, #tpu.memory_space<hbm>>
    %dma_start3A_212 = arith.constant 160 : i32
    %dma_start3A_213 = arith.constant 0 : i32
    %dma_start3A_214 = tpu.memref_slice %arg6[%dma_start3A_212, %dma_start3A_213] : memref<644x128xf32, #tpu.memory_space<vmem>> -> memref<24x128xf32, #tpu.memory_space<vmem>>
    tpu.enqueue_dma source(%dma_start3A_214 : memref<24x128xf32, #tpu.memory_space<vmem>>) target(%dma_start3A_211 : memref<24x128xf32, #tpu.memory_space<hbm>>) target_semaphore(%arg12 : memref<!tpu.dma_semaphore, #tpu.memory_space<semaphore_mem>>)
    %add3A_215 = arith.constant 9 : i32
    %add3A_216 = arith.addi %mul3A_51, %add3A_215 : i32
    %dma_start3A_217 = arith.constant 180 : i32
    %dma_start3A_218 = arith.constant 0 : i32
    %dma_start3A_219 = tpu.memref_slice %arg6[%dma_start3A_217, %dma_start3A_218] : memref<644x128xf32, #tpu.memory_space<vmem>> -> memref<24x128xf32, #tpu.memory_space<vmem>>
    %dma_start3A_220 = arith.constant 0 : i32
    %dma_start3A_221 = arith.constant 0 : i32
    %dma_start3A_222 = tpu.memref_slice %arg4[%add3A_216, %dma_start3A_220, %dma_start3A_221] : memref<1024x24x128xf32, #tpu.memory_space<hbm>> -> memref<1x24x128xf32, #tpu.memory_space<hbm>>
    %dma_start3A_223 = tpu.memref_squeeze %dma_start3A_222 : memref<1x24x128xf32, #tpu.memory_space<hbm>> -> memref<24x128xf32, #tpu.memory_space<hbm>>
    %dma_start3A_224 = arith.constant 0 : i32
    %dma_start3A_225 = arith.constant 0 : i32
    %dma_start3A_226 = tpu.memref_slice %arg4[%add3A_216, %dma_start3A_224, %dma_start3A_225] : memref<1024x24x128xf32, #tpu.memory_space<hbm>> -> memref<1x24x128xf32, #tpu.memory_space<hbm>>
    %dma_start3A_227 = tpu.memref_squeeze %dma_start3A_226 : memref<1x24x128xf32, #tpu.memory_space<hbm>> -> memref<24x128xf32, #tpu.memory_space<hbm>>
    %dma_start3A_228 = arith.constant 180 : i32
    %dma_start3A_229 = arith.constant 0 : i32
    %dma_start3A_230 = tpu.memref_slice %arg6[%dma_start3A_228, %dma_start3A_229] : memref<644x128xf32, #tpu.memory_space<vmem>> -> memref<24x128xf32, #tpu.memory_space<vmem>>
    tpu.enqueue_dma source(%dma_start3A_230 : memref<24x128xf32, #tpu.memory_space<vmem>>) target(%dma_start3A_227 : memref<24x128xf32, #tpu.memory_space<hbm>>) target_semaphore(%arg12 : memref<!tpu.dma_semaphore, #tpu.memory_space<semaphore_mem>>)
    %add3A_231 = arith.constant 10 : i32
    %add3A_232 = arith.addi %mul3A_51, %add3A_231 : i32
    %dma_start3A_233 = arith.constant 200 : i32
    %dma_start3A_234 = arith.constant 0 : i32
    %dma_start3A_235 = tpu.memref_slice %arg6[%dma_start3A_233, %dma_start3A_234] : memref<644x128xf32, #tpu.memory_space<vmem>> -> memref<24x128xf32, #tpu.memory_space<vmem>>
    %dma_start3A_236 = arith.constant 0 : i32
    %dma_start3A_237 = arith.constant 0 : i32
    %dma_start3A_238 = tpu.memref_slice %arg4[%add3A_232, %dma_start3A_236, %dma_start3A_237] : memref<1024x24x128xf32, #tpu.memory_space<hbm>> -> memref<1x24x128xf32, #tpu.memory_space<hbm>>
    %dma_start3A_239 = tpu.memref_squeeze %dma_start3A_238 : memref<1x24x128xf32, #tpu.memory_space<hbm>> -> memref<24x128xf32, #tpu.memory_space<hbm>>
    %dma_start3A_240 = arith.constant 0 : i32
    %dma_start3A_241 = arith.constant 0 : i32
    %dma_start3A_242 = tpu.memref_slice %arg4[%add3A_232, %dma_start3A_240, %dma_start3A_241] : memref<1024x24x128xf32, #tpu.memory_space<hbm>> -> memref<1x24x128xf32, #tpu.memory_space<hbm>>
    %dma_start3A_243 = tpu.memref_squeeze %dma_start3A_242 : memref<1x24x128xf32, #tpu.memory_space<hbm>> -> memref<24x128xf32, #tpu.memory_space<hbm>>
    %dma_start3A_244 = arith.constant 200 : i32
    %dma_start3A_245 = arith.constant 0 : i32
    %dma_start3A_246 = tpu.memref_slice %arg6[%dma_start3A_244, %dma_start3A_245] : memref<644x128xf32, #tpu.memory_space<vmem>> -> memref<24x128xf32, #tpu.memory_space<vmem>>
    tpu.enqueue_dma source(%dma_start3A_246 : memref<24x128xf32, #tpu.memory_space<vmem>>) target(%dma_start3A_243 : memref<24x128xf32, #tpu.memory_space<hbm>>) target_semaphore(%arg12 : memref<!tpu.dma_semaphore, #tpu.memory_space<semaphore_mem>>)
    %add3A_247 = arith.constant 11 : i32
    %add3A_248 = arith.addi %mul3A_51, %add3A_247 : i32
    %dma_start3A_249 = arith.constant 220 : i32
    %dma_start3A_250 = arith.constant 0 : i32
    %dma_start3A_251 = tpu.memref_slice %arg6[%dma_start3A_249, %dma_start3A_250] : memref<644x128xf32, #tpu.memory_space<vmem>> -> memref<24x128xf32, #tpu.memory_space<vmem>>
    %dma_start3A_252 = arith.constant 0 : i32
    %dma_start3A_253 = arith.constant 0 : i32
    %dma_start3A_254 = tpu.memref_slice %arg4[%add3A_248, %dma_start3A_252, %dma_start3A_253] : memref<1024x24x128xf32, #tpu.memory_space<hbm>> -> memref<1x24x128xf32, #tpu.memory_space<hbm>>
    %dma_start3A_255 = tpu.memref_squeeze %dma_start3A_254 : memref<1x24x128xf32, #tpu.memory_space<hbm>> -> memref<24x128xf32, #tpu.memory_space<hbm>>
    %dma_start3A_256 = arith.constant 0 : i32
    %dma_start3A_257 = arith.constant 0 : i32
    %dma_start3A_258 = tpu.memref_slice %arg4[%add3A_248, %dma_start3A_256, %dma_start3A_257] : memref<1024x24x128xf32, #tpu.memory_space<hbm>> -> memref<1x24x128xf32, #tpu.memory_space<hbm>>
    %dma_start3A_259 = tpu.memref_squeeze %dma_start3A_258 : memref<1x24x128xf32, #tpu.memory_space<hbm>> -> memref<24x128xf32, #tpu.memory_space<hbm>>
    %dma_start3A_260 = arith.constant 220 : i32
    %dma_start3A_261 = arith.constant 0 : i32
    %dma_start3A_262 = tpu.memref_slice %arg6[%dma_start3A_260, %dma_start3A_261] : memref<644x128xf32, #tpu.memory_space<vmem>> -> memref<24x128xf32, #tpu.memory_space<vmem>>
    tpu.enqueue_dma source(%dma_start3A_262 : memref<24x128xf32, #tpu.memory_space<vmem>>) target(%dma_start3A_259 : memref<24x128xf32, #tpu.memory_space<hbm>>) target_semaphore(%arg12 : memref<!tpu.dma_semaphore, #tpu.memory_space<semaphore_mem>>)
    %dma_wait3A_263 = arith.constant 2 : i32
    %dma_wait3A_264 = arith.constant 256 : i32
    %dma_wait3A_265 = arith.constant 0 : i32
    %dma_wait3A_266 = tpu.memref_slice %arg6[%dma_wait3A_264, %dma_wait3A_265] : memref<644x128xf32, #tpu.memory_space<vmem>> -> memref<128x128xf32, #tpu.memory_space<vmem>>
    %dma_wait3A_267 = arith.constant 0 : i32
    %dma_wait3A_268 = tpu.memref_slice %arg5[%dma_wait3A_263, %dma_wait3A_267] : memref<5x128xi32, #tpu.memory_space<vmem>> -> memref<1x128xi32, #tpu.memory_space<vmem>>
    %dma_wait3A_269 = tpu.memref_squeeze %dma_wait3A_268 : memref<1x128xi32, #tpu.memory_space<vmem>> -> memref<128xi32, #tpu.memory_space<vmem>>
    %dma_wait3A_270 = arith.constant 0 : i32
    %dma_wait3A_271 = arith.constant 0 : i32
    %dma_wait3A_272 = tpu.memref_slice %arg2[%dma_wait3A_270, %dma_wait3A_271] : memref<10000x128xf32, #tpu.memory_space<hbm>> -> memref<10000x128xf32, #tpu.memory_space<hbm>>
    tpu.wait_indirect_dma semaphore(%arg9 : memref<!tpu.dma_semaphore, #tpu.memory_space<semaphore_mem>>) src(%dma_wait3A_272 : memref<10000x128xf32, #tpu.memory_space<hbm>>) dst(%dma_wait3A_266 : memref<128x128xf32, #tpu.memory_space<vmem>>)
    %add3A_273 = arith.constant 12 : i32
    %add3A_274 = arith.addi %mul3A_51, %add3A_273 : i32
    %dma_start3A_275 = arith.constant 240 : i32
    %dma_start3A_276 = arith.constant 0 : i32
    %dma_start3A_277 = tpu.memref_slice %arg6[%dma_start3A_275, %dma_start3A_276] : memref<644x128xf32, #tpu.memory_space<vmem>> -> memref<24x128xf32, #tpu.memory_space<vmem>>
    %dma_start3A_278 = arith.constant 0 : i32
    %dma_start3A_279 = arith.constant 0 : i32
    %dma_start3A_280 = tpu.memref_slice %arg4[%add3A_274, %dma_start3A_278, %dma_start3A_279] : memref<1024x24x128xf32, #tpu.memory_space<hbm>> -> memref<1x24x128xf32, #tpu.memory_space<hbm>>
    %dma_start3A_281 = tpu.memref_squeeze %dma_start3A_280 : memref<1x24x128xf32, #tpu.memory_space<hbm>> -> memref<24x128xf32, #tpu.memory_space<hbm>>
    %dma_start3A_282 = arith.constant 0 : i32
    %dma_start3A_283 = arith.constant 0 : i32
    %dma_start3A_284 = tpu.memref_slice %arg4[%add3A_274, %dma_start3A_282, %dma_start3A_283] : memref<1024x24x128xf32, #tpu.memory_space<hbm>> -> memref<1x24x128xf32, #tpu.memory_space<hbm>>
    %dma_start3A_285 = tpu.memref_squeeze %dma_start3A_284 : memref<1x24x128xf32, #tpu.memory_space<hbm>> -> memref<24x128xf32, #tpu.memory_space<hbm>>
    %dma_start3A_286 = arith.constant 240 : i32
    %dma_start3A_287 = arith.constant 0 : i32
    %dma_start3A_288 = tpu.memref_slice %arg6[%dma_start3A_286, %dma_start3A_287] : memref<644x128xf32, #tpu.memory_space<vmem>> -> memref<24x128xf32, #tpu.memory_space<vmem>>
    tpu.enqueue_dma source(%dma_start3A_288 : memref<24x128xf32, #tpu.memory_space<vmem>>) target(%dma_start3A_285 : memref<24x128xf32, #tpu.memory_space<hbm>>) target_semaphore(%arg12 : memref<!tpu.dma_semaphore, #tpu.memory_space<semaphore_mem>>)
    %add3A_289 = arith.constant 13 : i32
    %add3A_290 = arith.addi %mul3A_51, %add3A_289 : i32
    %dma_start3A_291 = arith.constant 260 : i32
    %dma_start3A_292 = arith.constant 0 : i32
    %dma_start3A_293 = tpu.memref_slice %arg6[%dma_start3A_291, %dma_start3A_292] : memref<644x128xf32, #tpu.memory_space<vmem>> -> memref<24x128xf32, #tpu.memory_space<vmem>>
    %dma_start3A_294 = arith.constant 0 : i32
    %dma_start3A_295 = arith.constant 0 : i32
    %dma_start3A_296 = tpu.memref_slice %arg4[%add3A_290, %dma_start3A_294, %dma_start3A_295] : memref<1024x24x128xf32, #tpu.memory_space<hbm>> -> memref<1x24x128xf32, #tpu.memory_space<hbm>>
    %dma_start3A_297 = tpu.memref_squeeze %dma_start3A_296 : memref<1x24x128xf32, #tpu.memory_space<hbm>> -> memref<24x128xf32, #tpu.memory_space<hbm>>
    %dma_start3A_298 = arith.constant 0 : i32
    %dma_start3A_299 = arith.constant 0 : i32
    %dma_start3A_300 = tpu.memref_slice %arg4[%add3A_290, %dma_start3A_298, %dma_start3A_299] : memref<1024x24x128xf32, #tpu.memory_space<hbm>> -> memref<1x24x128xf32, #tpu.memory_space<hbm>>
    %dma_start3A_301 = tpu.memref_squeeze %dma_start3A_300 : memref<1x24x128xf32, #tpu.memory_space<hbm>> -> memref<24x128xf32, #tpu.memory_space<hbm>>
    %dma_start3A_302 = arith.constant 260 : i32
    %dma_start3A_303 = arith.constant 0 : i32
    %dma_start3A_304 = tpu.memref_slice %arg6[%dma_start3A_302, %dma_start3A_303] : memref<644x128xf32, #tpu.memory_space<vmem>> -> memref<24x128xf32, #tpu.memory_space<vmem>>
    tpu.enqueue_dma source(%dma_start3A_304 : memref<24x128xf32, #tpu.memory_space<vmem>>) target(%dma_start3A_301 : memref<24x128xf32, #tpu.memory_space<hbm>>) target_semaphore(%arg12 : memref<!tpu.dma_semaphore, #tpu.memory_space<semaphore_mem>>)
    %add3A_305 = arith.constant 14 : i32
    %add3A_306 = arith.addi %mul3A_51, %add3A_305 : i32
    %dma_start3A_307 = arith.constant 280 : i32
    %dma_start3A_308 = arith.constant 0 : i32
    %dma_start3A_309 = tpu.memref_slice %arg6[%dma_start3A_307, %dma_start3A_308] : memref<644x128xf32, #tpu.memory_space<vmem>> -> memref<24x128xf32, #tpu.memory_space<vmem>>
    %dma_start3A_310 = arith.constant 0 : i32
    %dma_start3A_311 = arith.constant 0 : i32
    %dma_start3A_312 = tpu.memref_slice %arg4[%add3A_306, %dma_start3A_310, %dma_start3A_311] : memref<1024x24x128xf32, #tpu.memory_space<hbm>> -> memref<1x24x128xf32, #tpu.memory_space<hbm>>
    %dma_start3A_313 = tpu.memref_squeeze %dma_start3A_312 : memref<1x24x128xf32, #tpu.memory_space<hbm>> -> memref<24x128xf32, #tpu.memory_space<hbm>>
    %dma_start3A_314 = arith.constant 0 : i32
    %dma_start3A_315 = arith.constant 0 : i32
    %dma_start3A_316 = tpu.memref_slice %arg4[%add3A_306, %dma_start3A_314, %dma_start3A_315] : memref<1024x24x128xf32, #tpu.memory_space<hbm>> -> memref<1x24x128xf32, #tpu.memory_space<hbm>>
    %dma_start3A_317 = tpu.memref_squeeze %dma_start3A_316 : memref<1x24x128xf32, #tpu.memory_space<hbm>> -> memref<24x128xf32, #tpu.memory_space<hbm>>
    %dma_start3A_318 = arith.constant 280 : i32
    %dma_start3A_319 = arith.constant 0 : i32
    %dma_start3A_320 = tpu.memref_slice %arg6[%dma_start3A_318, %dma_start3A_319] : memref<644x128xf32, #tpu.memory_space<vmem>> -> memref<24x128xf32, #tpu.memory_space<vmem>>
    tpu.enqueue_dma source(%dma_start3A_320 : memref<24x128xf32, #tpu.memory_space<vmem>>) target(%dma_start3A_317 : memref<24x128xf32, #tpu.memory_space<hbm>>) target_semaphore(%arg12 : memref<!tpu.dma_semaphore, #tpu.memory_space<semaphore_mem>>)
    %add3A_321 = arith.constant 15 : i32
    %add3A_322 = arith.addi %mul3A_51, %add3A_321 : i32
    %dma_start3A_323 = arith.constant 300 : i32
    %dma_start3A_324 = arith.constant 0 : i32
    %dma_start3A_325 = tpu.memref_slice %arg6[%dma_start3A_323, %dma_start3A_324] : memref<644x128xf32, #tpu.memory_space<vmem>> -> memref<24x128xf32, #tpu.memory_space<vmem>>
    %dma_start3A_326 = arith.constant 0 : i32
    %dma_start3A_327 = arith.constant 0 : i32
    %dma_start3A_328 = tpu.memref_slice %arg4[%add3A_322, %dma_start3A_326, %dma_start3A_327] : memref<1024x24x128xf32, #tpu.memory_space<hbm>> -> memref<1x24x128xf32, #tpu.memory_space<hbm>>
    %dma_start3A_329 = tpu.memref_squeeze %dma_start3A_328 : memref<1x24x128xf32, #tpu.memory_space<hbm>> -> memref<24x128xf32, #tpu.memory_space<hbm>>
    %dma_start3A_330 = arith.constant 0 : i32
    %dma_start3A_331 = arith.constant 0 : i32
    %dma_start3A_332 = tpu.memref_slice %arg4[%add3A_322, %dma_start3A_330, %dma_start3A_331] : memref<1024x24x128xf32, #tpu.memory_space<hbm>> -> memref<1x24x128xf32, #tpu.memory_space<hbm>>
    %dma_start3A_333 = tpu.memref_squeeze %dma_start3A_332 : memref<1x24x128xf32, #tpu.memory_space<hbm>> -> memref<24x128xf32, #tpu.memory_space<hbm>>
    %dma_start3A_334 = arith.constant 300 : i32
    %dma_start3A_335 = arith.constant 0 : i32
    %dma_start3A_336 = tpu.memref_slice %arg6[%dma_start3A_334, %dma_start3A_335] : memref<644x128xf32, #tpu.memory_space<vmem>> -> memref<24x128xf32, #tpu.memory_space<vmem>>
    tpu.enqueue_dma source(%dma_start3A_336 : memref<24x128xf32, #tpu.memory_space<vmem>>) target(%dma_start3A_333 : memref<24x128xf32, #tpu.memory_space<hbm>>) target_semaphore(%arg12 : memref<!tpu.dma_semaphore, #tpu.memory_space<semaphore_mem>>)
    %add3A_337 = arith.constant 16 : i32
    %add3A_338 = arith.addi %mul3A_51, %add3A_337 : i32
    %dma_start3A_339 = arith.constant 320 : i32
    %dma_start3A_340 = arith.constant 0 : i32
    %dma_start3A_341 = tpu.memref_slice %arg6[%dma_start3A_339, %dma_start3A_340] : memref<644x128xf32, #tpu.memory_space<vmem>> -> memref<24x128xf32, #tpu.memory_space<vmem>>
    %dma_start3A_342 = arith.constant 0 : i32
    %dma_start3A_343 = arith.constant 0 : i32
    %dma_start3A_344 = tpu.memref_slice %arg4[%add3A_338, %dma_start3A_342, %dma_start3A_343] : memref<1024x24x128xf32, #tpu.memory_space<hbm>> -> memref<1x24x128xf32, #tpu.memory_space<hbm>>
    %dma_start3A_345 = tpu.memref_squeeze %dma_start3A_344 : memref<1x24x128xf32, #tpu.memory_space<hbm>> -> memref<24x128xf32, #tpu.memory_space<hbm>>
    %dma_start3A_346 = arith.constant 0 : i32
    %dma_start3A_347 = arith.constant 0 : i32
    %dma_start3A_348 = tpu.memref_slice %arg4[%add3A_338, %dma_start3A_346, %dma_start3A_347] : memref<1024x24x128xf32, #tpu.memory_space<hbm>> -> memref<1x24x128xf32, #tpu.memory_space<hbm>>
    %dma_start3A_349 = tpu.memref_squeeze %dma_start3A_348 : memref<1x24x128xf32, #tpu.memory_space<hbm>> -> memref<24x128xf32, #tpu.memory_space<hbm>>
    %dma_start3A_350 = arith.constant 320 : i32
    %dma_start3A_351 = arith.constant 0 : i32
    %dma_start3A_352 = tpu.memref_slice %arg6[%dma_start3A_350, %dma_start3A_351] : memref<644x128xf32, #tpu.memory_space<vmem>> -> memref<24x128xf32, #tpu.memory_space<vmem>>
    tpu.enqueue_dma source(%dma_start3A_352 : memref<24x128xf32, #tpu.memory_space<vmem>>) target(%dma_start3A_349 : memref<24x128xf32, #tpu.memory_space<hbm>>) target_semaphore(%arg12 : memref<!tpu.dma_semaphore, #tpu.memory_space<semaphore_mem>>)
    %add3A_353 = arith.constant 17 : i32
    %add3A_354 = arith.addi %mul3A_51, %add3A_353 : i32
    %dma_start3A_355 = arith.constant 340 : i32
    %dma_start3A_356 = arith.constant 0 : i32
    %dma_start3A_357 = tpu.memref_slice %arg6[%dma_start3A_355, %dma_start3A_356] : memref<644x128xf32, #tpu.memory_space<vmem>> -> memref<24x128xf32, #tpu.memory_space<vmem>>
    %dma_start3A_358 = arith.constant 0 : i32
    %dma_start3A_359 = arith.constant 0 : i32
    %dma_start3A_360 = tpu.memref_slice %arg4[%add3A_354, %dma_start3A_358, %dma_start3A_359] : memref<1024x24x128xf32, #tpu.memory_space<hbm>> -> memref<1x24x128xf32, #tpu.memory_space<hbm>>
    %dma_start3A_361 = tpu.memref_squeeze %dma_start3A_360 : memref<1x24x128xf32, #tpu.memory_space<hbm>> -> memref<24x128xf32, #tpu.memory_space<hbm>>
    %dma_start3A_362 = arith.constant 0 : i32
    %dma_start3A_363 = arith.constant 0 : i32
    %dma_start3A_364 = tpu.memref_slice %arg4[%add3A_354, %dma_start3A_362, %dma_start3A_363] : memref<1024x24x128xf32, #tpu.memory_space<hbm>> -> memref<1x24x128xf32, #tpu.memory_space<hbm>>
    %dma_start3A_365 = tpu.memref_squeeze %dma_start3A_364 : memref<1x24x128xf32, #tpu.memory_space<hbm>> -> memref<24x128xf32, #tpu.memory_space<hbm>>
    %dma_start3A_366 = arith.constant 340 : i32
    %dma_start3A_367 = arith.constant 0 : i32
    %dma_start3A_368 = tpu.memref_slice %arg6[%dma_start3A_366, %dma_start3A_367] : memref<644x128xf32, #tpu.memory_space<vmem>> -> memref<24x128xf32, #tpu.memory_space<vmem>>
    tpu.enqueue_dma source(%dma_start3A_368 : memref<24x128xf32, #tpu.memory_space<vmem>>) target(%dma_start3A_365 : memref<24x128xf32, #tpu.memory_space<hbm>>) target_semaphore(%arg12 : memref<!tpu.dma_semaphore, #tpu.memory_space<semaphore_mem>>)
    %add3A_369 = arith.constant 18 : i32
    %add3A_370 = arith.addi %mul3A_51, %add3A_369 : i32
    %dma_start3A_371 = arith.constant 360 : i32
    %dma_start3A_372 = arith.constant 0 : i32
    %dma_start3A_373 = tpu.memref_slice %arg6[%dma_start3A_371, %dma_start3A_372] : memref<644x128xf32, #tpu.memory_space<vmem>> -> memref<24x128xf32, #tpu.memory_space<vmem>>
    %dma_start3A_374 = arith.constant 0 : i32
    %dma_start3A_375 = arith.constant 0 : i32
    %dma_start3A_376 = tpu.memref_slice %arg4[%add3A_370, %dma_start3A_374, %dma_start3A_375] : memref<1024x24x128xf32, #tpu.memory_space<hbm>> -> memref<1x24x128xf32, #tpu.memory_space<hbm>>
    %dma_start3A_377 = tpu.memref_squeeze %dma_start3A_376 : memref<1x24x128xf32, #tpu.memory_space<hbm>> -> memref<24x128xf32, #tpu.memory_space<hbm>>
    %dma_start3A_378 = arith.constant 0 : i32
    %dma_start3A_379 = arith.constant 0 : i32
    %dma_start3A_380 = tpu.memref_slice %arg4[%add3A_370, %dma_start3A_378, %dma_start3A_379] : memref<1024x24x128xf32, #tpu.memory_space<hbm>> -> memref<1x24x128xf32, #tpu.memory_space<hbm>>
    %dma_start3A_381 = tpu.memref_squeeze %dma_start3A_380 : memref<1x24x128xf32, #tpu.memory_space<hbm>> -> memref<24x128xf32, #tpu.memory_space<hbm>>
    %dma_start3A_382 = arith.constant 360 : i32
    %dma_start3A_383 = arith.constant 0 : i32
    %dma_start3A_384 = tpu.memref_slice %arg6[%dma_start3A_382, %dma_start3A_383] : memref<644x128xf32, #tpu.memory_space<vmem>> -> memref<24x128xf32, #tpu.memory_space<vmem>>
    tpu.enqueue_dma source(%dma_start3A_384 : memref<24x128xf32, #tpu.memory_space<vmem>>) target(%dma_start3A_381 : memref<24x128xf32, #tpu.memory_space<hbm>>) target_semaphore(%arg12 : memref<!tpu.dma_semaphore, #tpu.memory_space<semaphore_mem>>)
    %dma_wait3A_385 = arith.constant 3 : i32
    %dma_wait3A_386 = arith.constant 384 : i32
    %dma_wait3A_387 = arith.constant 0 : i32
    %dma_wait3A_388 = tpu.memref_slice %arg6[%dma_wait3A_386, %dma_wait3A_387] : memref<644x128xf32, #tpu.memory_space<vmem>> -> memref<128x128xf32, #tpu.memory_space<vmem>>
    %dma_wait3A_389 = arith.constant 0 : i32
    %dma_wait3A_390 = tpu.memref_slice %arg5[%dma_wait3A_385, %dma_wait3A_389] : memref<5x128xi32, #tpu.memory_space<vmem>> -> memref<1x128xi32, #tpu.memory_space<vmem>>
    %dma_wait3A_391 = tpu.memref_squeeze %dma_wait3A_390 : memref<1x128xi32, #tpu.memory_space<vmem>> -> memref<128xi32, #tpu.memory_space<vmem>>
    %dma_wait3A_392 = arith.constant 0 : i32
    %dma_wait3A_393 = arith.constant 0 : i32
    %dma_wait3A_394 = tpu.memref_slice %arg2[%dma_wait3A_392, %dma_wait3A_393] : memref<10000x128xf32, #tpu.memory_space<hbm>> -> memref<10000x128xf32, #tpu.memory_space<hbm>>
    tpu.wait_indirect_dma semaphore(%arg10 : memref<!tpu.dma_semaphore, #tpu.memory_space<semaphore_mem>>) src(%dma_wait3A_394 : memref<10000x128xf32, #tpu.memory_space<hbm>>) dst(%dma_wait3A_388 : memref<128x128xf32, #tpu.memory_space<vmem>>)
    %add3A_395 = arith.constant 19 : i32
    %add3A_396 = arith.addi %mul3A_51, %add3A_395 : i32
    %dma_start3A_397 = arith.constant 380 : i32
    %dma_start3A_398 = arith.constant 0 : i32
    %dma_start3A_399 = tpu.memref_slice %arg6[%dma_start3A_397, %dma_start3A_398] : memref<644x128xf32, #tpu.memory_space<vmem>> -> memref<24x128xf32, #tpu.memory_space<vmem>>
    %dma_start3A_400 = arith.constant 0 : i32
    %dma_start3A_401 = arith.constant 0 : i32
    %dma_start3A_402 = tpu.memref_slice %arg4[%add3A_396, %dma_start3A_400, %dma_start3A_401] : memref<1024x24x128xf32, #tpu.memory_space<hbm>> -> memref<1x24x128xf32, #tpu.memory_space<hbm>>
    %dma_start3A_403 = tpu.memref_squeeze %dma_start3A_402 : memref<1x24x128xf32, #tpu.memory_space<hbm>> -> memref<24x128xf32, #tpu.memory_space<hbm>>
    %dma_start3A_404 = arith.constant 0 : i32
    %dma_start3A_405 = arith.constant 0 : i32
    %dma_start3A_406 = tpu.memref_slice %arg4[%add3A_396, %dma_start3A_404, %dma_start3A_405] : memref<1024x24x128xf32, #tpu.memory_space<hbm>> -> memref<1x24x128xf32, #tpu.memory_space<hbm>>
    %dma_start3A_407 = tpu.memref_squeeze %dma_start3A_406 : memref<1x24x128xf32, #tpu.memory_space<hbm>> -> memref<24x128xf32, #tpu.memory_space<hbm>>
    %dma_start3A_408 = arith.constant 380 : i32
    %dma_start3A_409 = arith.constant 0 : i32
    %dma_start3A_410 = tpu.memref_slice %arg6[%dma_start3A_408, %dma_start3A_409] : memref<644x128xf32, #tpu.memory_space<vmem>> -> memref<24x128xf32, #tpu.memory_space<vmem>>
    tpu.enqueue_dma source(%dma_start3A_410 : memref<24x128xf32, #tpu.memory_space<vmem>>) target(%dma_start3A_407 : memref<24x128xf32, #tpu.memory_space<hbm>>) target_semaphore(%arg12 : memref<!tpu.dma_semaphore, #tpu.memory_space<semaphore_mem>>)
    %add3A_411 = arith.constant 20 : i32
    %add3A_412 = arith.addi %mul3A_51, %add3A_411 : i32
    %dma_start3A_413 = arith.constant 400 : i32
    %dma_start3A_414 = arith.constant 0 : i32
    %dma_start3A_415 = tpu.memref_slice %arg6[%dma_start3A_413, %dma_start3A_414] : memref<644x128xf32, #tpu.memory_space<vmem>> -> memref<24x128xf32, #tpu.memory_space<vmem>>
    %dma_start3A_416 = arith.constant 0 : i32
    %dma_start3A_417 = arith.constant 0 : i32
    %dma_start3A_418 = tpu.memref_slice %arg4[%add3A_412, %dma_start3A_416, %dma_start3A_417] : memref<1024x24x128xf32, #tpu.memory_space<hbm>> -> memref<1x24x128xf32, #tpu.memory_space<hbm>>
    %dma_start3A_419 = tpu.memref_squeeze %dma_start3A_418 : memref<1x24x128xf32, #tpu.memory_space<hbm>> -> memref<24x128xf32, #tpu.memory_space<hbm>>
    %dma_start3A_420 = arith.constant 0 : i32
    %dma_start3A_421 = arith.constant 0 : i32
    %dma_start3A_422 = tpu.memref_slice %arg4[%add3A_412, %dma_start3A_420, %dma_start3A_421] : memref<1024x24x128xf32, #tpu.memory_space<hbm>> -> memref<1x24x128xf32, #tpu.memory_space<hbm>>
    %dma_start3A_423 = tpu.memref_squeeze %dma_start3A_422 : memref<1x24x128xf32, #tpu.memory_space<hbm>> -> memref<24x128xf32, #tpu.memory_space<hbm>>
    %dma_start3A_424 = arith.constant 400 : i32
    %dma_start3A_425 = arith.constant 0 : i32
    %dma_start3A_426 = tpu.memref_slice %arg6[%dma_start3A_424, %dma_start3A_425] : memref<644x128xf32, #tpu.memory_space<vmem>> -> memref<24x128xf32, #tpu.memory_space<vmem>>
    tpu.enqueue_dma source(%dma_start3A_426 : memref<24x128xf32, #tpu.memory_space<vmem>>) target(%dma_start3A_423 : memref<24x128xf32, #tpu.memory_space<hbm>>) target_semaphore(%arg12 : memref<!tpu.dma_semaphore, #tpu.memory_space<semaphore_mem>>)
    %add3A_427 = arith.constant 21 : i32
    %add3A_428 = arith.addi %mul3A_51, %add3A_427 : i32
    %dma_start3A_429 = arith.constant 420 : i32
    %dma_start3A_430 = arith.constant 0 : i32
    %dma_start3A_431 = tpu.memref_slice %arg6[%dma_start3A_429, %dma_start3A_430] : memref<644x128xf32, #tpu.memory_space<vmem>> -> memref<24x128xf32, #tpu.memory_space<vmem>>
    %dma_start3A_432 = arith.constant 0 : i32
    %dma_start3A_433 = arith.constant 0 : i32
    %dma_start3A_434 = tpu.memref_slice %arg4[%add3A_428, %dma_start3A_432, %dma_start3A_433] : memref<1024x24x128xf32, #tpu.memory_space<hbm>> -> memref<1x24x128xf32, #tpu.memory_space<hbm>>
    %dma_start3A_435 = tpu.memref_squeeze %dma_start3A_434 : memref<1x24x128xf32, #tpu.memory_space<hbm>> -> memref<24x128xf32, #tpu.memory_space<hbm>>
    %dma_start3A_436 = arith.constant 0 : i32
    %dma_start3A_437 = arith.constant 0 : i32
    %dma_start3A_438 = tpu.memref_slice %arg4[%add3A_428, %dma_start3A_436, %dma_start3A_437] : memref<1024x24x128xf32, #tpu.memory_space<hbm>> -> memref<1x24x128xf32, #tpu.memory_space<hbm>>
    %dma_start3A_439 = tpu.memref_squeeze %dma_start3A_438 : memref<1x24x128xf32, #tpu.memory_space<hbm>> -> memref<24x128xf32, #tpu.memory_space<hbm>>
    %dma_start3A_440 = arith.constant 420 : i32
    %dma_start3A_441 = arith.constant 0 : i32
    %dma_start3A_442 = tpu.memref_slice %arg6[%dma_start3A_440, %dma_start3A_441] : memref<644x128xf32, #tpu.memory_space<vmem>> -> memref<24x128xf32, #tpu.memory_space<vmem>>
    tpu.enqueue_dma source(%dma_start3A_442 : memref<24x128xf32, #tpu.memory_space<vmem>>) target(%dma_start3A_439 : memref<24x128xf32, #tpu.memory_space<hbm>>) target_semaphore(%arg12 : memref<!tpu.dma_semaphore, #tpu.memory_space<semaphore_mem>>)
    %add3A_443 = arith.constant 22 : i32
    %add3A_444 = arith.addi %mul3A_51, %add3A_443 : i32
    %dma_start3A_445 = arith.constant 440 : i32
    %dma_start3A_446 = arith.constant 0 : i32
    %dma_start3A_447 = tpu.memref_slice %arg6[%dma_start3A_445, %dma_start3A_446] : memref<644x128xf32, #tpu.memory_space<vmem>> -> memref<24x128xf32, #tpu.memory_space<vmem>>
    %dma_start3A_448 = arith.constant 0 : i32
    %dma_start3A_449 = arith.constant 0 : i32
    %dma_start3A_450 = tpu.memref_slice %arg4[%add3A_444, %dma_start3A_448, %dma_start3A_449] : memref<1024x24x128xf32, #tpu.memory_space<hbm>> -> memref<1x24x128xf32, #tpu.memory_space<hbm>>
    %dma_start3A_451 = tpu.memref_squeeze %dma_start3A_450 : memref<1x24x128xf32, #tpu.memory_space<hbm>> -> memref<24x128xf32, #tpu.memory_space<hbm>>
    %dma_start3A_452 = arith.constant 0 : i32
    %dma_start3A_453 = arith.constant 0 : i32
    %dma_start3A_454 = tpu.memref_slice %arg4[%add3A_444, %dma_start3A_452, %dma_start3A_453] : memref<1024x24x128xf32, #tpu.memory_space<hbm>> -> memref<1x24x128xf32, #tpu.memory_space<hbm>>
    %dma_start3A_455 = tpu.memref_squeeze %dma_start3A_454 : memref<1x24x128xf32, #tpu.memory_space<hbm>> -> memref<24x128xf32, #tpu.memory_space<hbm>>
    %dma_start3A_456 = arith.constant 440 : i32
    %dma_start3A_457 = arith.constant 0 : i32
    %dma_start3A_458 = tpu.memref_slice %arg6[%dma_start3A_456, %dma_start3A_457] : memref<644x128xf32, #tpu.memory_space<vmem>> -> memref<24x128xf32, #tpu.memory_space<vmem>>
    tpu.enqueue_dma source(%dma_start3A_458 : memref<24x128xf32, #tpu.memory_space<vmem>>) target(%dma_start3A_455 : memref<24x128xf32, #tpu.memory_space<hbm>>) target_semaphore(%arg12 : memref<!tpu.dma_semaphore, #tpu.memory_space<semaphore_mem>>)
    %add3A_459 = arith.constant 23 : i32
    %add3A_460 = arith.addi %mul3A_51, %add3A_459 : i32
    %dma_start3A_461 = arith.constant 460 : i32
    %dma_start3A_462 = arith.constant 0 : i32
    %dma_start3A_463 = tpu.memref_slice %arg6[%dma_start3A_461, %dma_start3A_462] : memref<644x128xf32, #tpu.memory_space<vmem>> -> memref<24x128xf32, #tpu.memory_space<vmem>>
    %dma_start3A_464 = arith.constant 0 : i32
    %dma_start3A_465 = arith.constant 0 : i32
    %dma_start3A_466 = tpu.memref_slice %arg4[%add3A_460, %dma_start3A_464, %dma_start3A_465] : memref<1024x24x128xf32, #tpu.memory_space<hbm>> -> memref<1x24x128xf32, #tpu.memory_space<hbm>>
    %dma_start3A_467 = tpu.memref_squeeze %dma_start3A_466 : memref<1x24x128xf32, #tpu.memory_space<hbm>> -> memref<24x128xf32, #tpu.memory_space<hbm>>
    %dma_start3A_468 = arith.constant 0 : i32
    %dma_start3A_469 = arith.constant 0 : i32
    %dma_start3A_470 = tpu.memref_slice %arg4[%add3A_460, %dma_start3A_468, %dma_start3A_469] : memref<1024x24x128xf32, #tpu.memory_space<hbm>> -> memref<1x24x128xf32, #tpu.memory_space<hbm>>
    %dma_start3A_471 = tpu.memref_squeeze %dma_start3A_470 : memref<1x24x128xf32, #tpu.memory_space<hbm>> -> memref<24x128xf32, #tpu.memory_space<hbm>>
    %dma_start3A_472 = arith.constant 460 : i32
    %dma_start3A_473 = arith.constant 0 : i32
    %dma_start3A_474 = tpu.memref_slice %arg6[%dma_start3A_472, %dma_start3A_473] : memref<644x128xf32, #tpu.memory_space<vmem>> -> memref<24x128xf32, #tpu.memory_space<vmem>>
    tpu.enqueue_dma source(%dma_start3A_474 : memref<24x128xf32, #tpu.memory_space<vmem>>) target(%dma_start3A_471 : memref<24x128xf32, #tpu.memory_space<hbm>>) target_semaphore(%arg12 : memref<!tpu.dma_semaphore, #tpu.memory_space<semaphore_mem>>)
    %add3A_475 = arith.constant 24 : i32
    %add3A_476 = arith.addi %mul3A_51, %add3A_475 : i32
    %dma_start3A_477 = arith.constant 480 : i32
    %dma_start3A_478 = arith.constant 0 : i32
    %dma_start3A_479 = tpu.memref_slice %arg6[%dma_start3A_477, %dma_start3A_478] : memref<644x128xf32, #tpu.memory_space<vmem>> -> memref<24x128xf32, #tpu.memory_space<vmem>>
    %dma_start3A_480 = arith.constant 0 : i32
    %dma_start3A_481 = arith.constant 0 : i32
    %dma_start3A_482 = tpu.memref_slice %arg4[%add3A_476, %dma_start3A_480, %dma_start3A_481] : memref<1024x24x128xf32, #tpu.memory_space<hbm>> -> memref<1x24x128xf32, #tpu.memory_space<hbm>>
    %dma_start3A_483 = tpu.memref_squeeze %dma_start3A_482 : memref<1x24x128xf32, #tpu.memory_space<hbm>> -> memref<24x128xf32, #tpu.memory_space<hbm>>
    %dma_start3A_484 = arith.constant 0 : i32
    %dma_start3A_485 = arith.constant 0 : i32
    %dma_start3A_486 = tpu.memref_slice %arg4[%add3A_476, %dma_start3A_484, %dma_start3A_485] : memref<1024x24x128xf32, #tpu.memory_space<hbm>> -> memref<1x24x128xf32, #tpu.memory_space<hbm>>
    %dma_start3A_487 = tpu.memref_squeeze %dma_start3A_486 : memref<1x24x128xf32, #tpu.memory_space<hbm>> -> memref<24x128xf32, #tpu.memory_space<hbm>>
    %dma_start3A_488 = arith.constant 480 : i32
    %dma_start3A_489 = arith.constant 0 : i32
    %dma_start3A_490 = tpu.memref_slice %arg6[%dma_start3A_488, %dma_start3A_489] : memref<644x128xf32, #tpu.memory_space<vmem>> -> memref<24x128xf32, #tpu.memory_space<vmem>>
    tpu.enqueue_dma source(%dma_start3A_490 : memref<24x128xf32, #tpu.memory_space<vmem>>) target(%dma_start3A_487 : memref<24x128xf32, #tpu.memory_space<hbm>>) target_semaphore(%arg12 : memref<!tpu.dma_semaphore, #tpu.memory_space<semaphore_mem>>)
    %dma_wait3A_491 = arith.constant 4 : i32
    %dma_wait3A_492 = arith.constant 512 : i32
    %dma_wait3A_493 = arith.constant 0 : i32
    %dma_wait3A_494 = tpu.memref_slice %arg6[%dma_wait3A_492, %dma_wait3A_493] : memref<644x128xf32, #tpu.memory_space<vmem>> -> memref<128x128xf32, #tpu.memory_space<vmem>>
    %dma_wait3A_495 = arith.constant 0 : i32
    %dma_wait3A_496 = tpu.memref_slice %arg5[%dma_wait3A_491, %dma_wait3A_495] : memref<5x128xi32, #tpu.memory_space<vmem>> -> memref<1x128xi32, #tpu.memory_space<vmem>>
    %dma_wait3A_497 = tpu.memref_squeeze %dma_wait3A_496 : memref<1x128xi32, #tpu.memory_space<vmem>> -> memref<128xi32, #tpu.memory_space<vmem>>
    %dma_wait3A_498 = arith.constant 0 : i32
    %dma_wait3A_499 = arith.constant 0 : i32
    %dma_wait3A_500 = tpu.memref_slice %arg2[%dma_wait3A_498, %dma_wait3A_499] : memref<10000x128xf32, #tpu.memory_space<hbm>> -> memref<10000x128xf32, #tpu.memory_space<hbm>>
    tpu.wait_indirect_dma semaphore(%arg11 : memref<!tpu.dma_semaphore, #tpu.memory_space<semaphore_mem>>) src(%dma_wait3A_500 : memref<10000x128xf32, #tpu.memory_space<hbm>>) dst(%dma_wait3A_494 : memref<128x128xf32, #tpu.memory_space<vmem>>)
    %add3A_501 = arith.constant 25 : i32
    %add3A_502 = arith.addi %mul3A_51, %add3A_501 : i32
    %dma_start3A_503 = arith.constant 500 : i32
    %dma_start3A_504 = arith.constant 0 : i32
    %dma_start3A_505 = tpu.memref_slice %arg6[%dma_start3A_503, %dma_start3A_504] : memref<644x128xf32, #tpu.memory_space<vmem>> -> memref<24x128xf32, #tpu.memory_space<vmem>>
    %dma_start3A_506 = arith.constant 0 : i32
    %dma_start3A_507 = arith.constant 0 : i32
    %dma_start3A_508 = tpu.memref_slice %arg4[%add3A_502, %dma_start3A_506, %dma_start3A_507] : memref<1024x24x128xf32, #tpu.memory_space<hbm>> -> memref<1x24x128xf32, #tpu.memory_space<hbm>>
    %dma_start3A_509 = tpu.memref_squeeze %dma_start3A_508 : memref<1x24x128xf32, #tpu.memory_space<hbm>> -> memref<24x128xf32, #tpu.memory_space<hbm>>
    %dma_start3A_510 = arith.constant 0 : i32
    %dma_start3A_511 = arith.constant 0 : i32
    %dma_start3A_512 = tpu.memref_slice %arg4[%add3A_502, %dma_start3A_510, %dma_start3A_511] : memref<1024x24x128xf32, #tpu.memory_space<hbm>> -> memref<1x24x128xf32, #tpu.memory_space<hbm>>
    %dma_start3A_513 = tpu.memref_squeeze %dma_start3A_512 : memref<1x24x128xf32, #tpu.memory_space<hbm>> -> memref<24x128xf32, #tpu.memory_space<hbm>>
    %dma_start3A_514 = arith.constant 500 : i32
    %dma_start3A_515 = arith.constant 0 : i32
    %dma_start3A_516 = tpu.memref_slice %arg6[%dma_start3A_514, %dma_start3A_515] : memref<644x128xf32, #tpu.memory_space<vmem>> -> memref<24x128xf32, #tpu.memory_space<vmem>>
    tpu.enqueue_dma source(%dma_start3A_516 : memref<24x128xf32, #tpu.memory_space<vmem>>) target(%dma_start3A_513 : memref<24x128xf32, #tpu.memory_space<hbm>>) target_semaphore(%arg12 : memref<!tpu.dma_semaphore, #tpu.memory_space<semaphore_mem>>)
    %add3A_517 = arith.constant 26 : i32
    %add3A_518 = arith.addi %mul3A_51, %add3A_517 : i32
    %dma_start3A_519 = arith.constant 520 : i32
    %dma_start3A_520 = arith.constant 0 : i32
    %dma_start3A_521 = tpu.memref_slice %arg6[%dma_start3A_519, %dma_start3A_520] : memref<644x128xf32, #tpu.memory_space<vmem>> -> memref<24x128xf32, #tpu.memory_space<vmem>>
    %dma_start3A_522 = arith.constant 0 : i32
    %dma_start3A_523 = arith.constant 0 : i32
    %dma_start3A_524 = tpu.memref_slice %arg4[%add3A_518, %dma_start3A_522, %dma_start3A_523] : memref<1024x24x128xf32, #tpu.memory_space<hbm>> -> memref<1x24x128xf32, #tpu.memory_space<hbm>>
    %dma_start3A_525 = tpu.memref_squeeze %dma_start3A_524 : memref<1x24x128xf32, #tpu.memory_space<hbm>> -> memref<24x128xf32, #tpu.memory_space<hbm>>
    %dma_start3A_526 = arith.constant 0 : i32
    %dma_start3A_527 = arith.constant 0 : i32
    %dma_start3A_528 = tpu.memref_slice %arg4[%add3A_518, %dma_start3A_526, %dma_start3A_527] : memref<1024x24x128xf32, #tpu.memory_space<hbm>> -> memref<1x24x128xf32, #tpu.memory_space<hbm>>
    %dma_start3A_529 = tpu.memref_squeeze %dma_start3A_528 : memref<1x24x128xf32, #tpu.memory_space<hbm>> -> memref<24x128xf32, #tpu.memory_space<hbm>>
    %dma_start3A_530 = arith.constant 520 : i32
    %dma_start3A_531 = arith.constant 0 : i32
    %dma_start3A_532 = tpu.memref_slice %arg6[%dma_start3A_530, %dma_start3A_531] : memref<644x128xf32, #tpu.memory_space<vmem>> -> memref<24x128xf32, #tpu.memory_space<vmem>>
    tpu.enqueue_dma source(%dma_start3A_532 : memref<24x128xf32, #tpu.memory_space<vmem>>) target(%dma_start3A_529 : memref<24x128xf32, #tpu.memory_space<hbm>>) target_semaphore(%arg12 : memref<!tpu.dma_semaphore, #tpu.memory_space<semaphore_mem>>)
    %add3A_533 = arith.constant 27 : i32
    %add3A_534 = arith.addi %mul3A_51, %add3A_533 : i32
    %dma_start3A_535 = arith.constant 540 : i32
    %dma_start3A_536 = arith.constant 0 : i32
    %dma_start3A_537 = tpu.memref_slice %arg6[%dma_start3A_535, %dma_start3A_536] : memref<644x128xf32, #tpu.memory_space<vmem>> -> memref<24x128xf32, #tpu.memory_space<vmem>>
    %dma_start3A_538 = arith.constant 0 : i32
    %dma_start3A_539 = arith.constant 0 : i32
    %dma_start3A_540 = tpu.memref_slice %arg4[%add3A_534, %dma_start3A_538, %dma_start3A_539] : memref<1024x24x128xf32, #tpu.memory_space<hbm>> -> memref<1x24x128xf32, #tpu.memory_space<hbm>>
    %dma_start3A_541 = tpu.memref_squeeze %dma_start3A_540 : memref<1x24x128xf32, #tpu.memory_space<hbm>> -> memref<24x128xf32, #tpu.memory_space<hbm>>
    %dma_start3A_542 = arith.constant 0 : i32
    %dma_start3A_543 = arith.constant 0 : i32
    %dma_start3A_544 = tpu.memref_slice %arg4[%add3A_534, %dma_start3A_542, %dma_start3A_543] : memref<1024x24x128xf32, #tpu.memory_space<hbm>> -> memref<1x24x128xf32, #tpu.memory_space<hbm>>
    %dma_start3A_545 = tpu.memref_squeeze %dma_start3A_544 : memref<1x24x128xf32, #tpu.memory_space<hbm>> -> memref<24x128xf32, #tpu.memory_space<hbm>>
    %dma_start3A_546 = arith.constant 540 : i32
    %dma_start3A_547 = arith.constant 0 : i32
    %dma_start3A_548 = tpu.memref_slice %arg6[%dma_start3A_546, %dma_start3A_547] : memref<644x128xf32, #tpu.memory_space<vmem>> -> memref<24x128xf32, #tpu.memory_space<vmem>>
    tpu.enqueue_dma source(%dma_start3A_548 : memref<24x128xf32, #tpu.memory_space<vmem>>) target(%dma_start3A_545 : memref<24x128xf32, #tpu.memory_space<hbm>>) target_semaphore(%arg12 : memref<!tpu.dma_semaphore, #tpu.memory_space<semaphore_mem>>)
    %add3A_549 = arith.constant 28 : i32
    %add3A_550 = arith.addi %mul3A_51, %add3A_549 : i32
    %dma_start3A_551 = arith.constant 560 : i32
    %dma_start3A_552 = arith.constant 0 : i32
    %dma_start3A_553 = tpu.memref_slice %arg6[%dma_start3A_551, %dma_start3A_552] : memref<644x128xf32, #tpu.memory_space<vmem>> -> memref<24x128xf32, #tpu.memory_space<vmem>>
    %dma_start3A_554 = arith.constant 0 : i32
    %dma_start3A_555 = arith.constant 0 : i32
    %dma_start3A_556 = tpu.memref_slice %arg4[%add3A_550, %dma_start3A_554, %dma_start3A_555] : memref<1024x24x128xf32, #tpu.memory_space<hbm>> -> memref<1x24x128xf32, #tpu.memory_space<hbm>>
    %dma_start3A_557 = tpu.memref_squeeze %dma_start3A_556 : memref<1x24x128xf32, #tpu.memory_space<hbm>> -> memref<24x128xf32, #tpu.memory_space<hbm>>
    %dma_start3A_558 = arith.constant 0 : i32
    %dma_start3A_559 = arith.constant 0 : i32
    %dma_start3A_560 = tpu.memref_slice %arg4[%add3A_550, %dma_start3A_558, %dma_start3A_559] : memref<1024x24x128xf32, #tpu.memory_space<hbm>> -> memref<1x24x128xf32, #tpu.memory_space<hbm>>
    %dma_start3A_561 = tpu.memref_squeeze %dma_start3A_560 : memref<1x24x128xf32, #tpu.memory_space<hbm>> -> memref<24x128xf32, #tpu.memory_space<hbm>>
    %dma_start3A_562 = arith.constant 560 : i32
    %dma_start3A_563 = arith.constant 0 : i32
    %dma_start3A_564 = tpu.memref_slice %arg6[%dma_start3A_562, %dma_start3A_563] : memref<644x128xf32, #tpu.memory_space<vmem>> -> memref<24x128xf32, #tpu.memory_space<vmem>>
    tpu.enqueue_dma source(%dma_start3A_564 : memref<24x128xf32, #tpu.memory_space<vmem>>) target(%dma_start3A_561 : memref<24x128xf32, #tpu.memory_space<hbm>>) target_semaphore(%arg12 : memref<!tpu.dma_semaphore, #tpu.memory_space<semaphore_mem>>)
    %add3A_565 = arith.constant 29 : i32
    %add3A_566 = arith.addi %mul3A_51, %add3A_565 : i32
    %dma_start3A_567 = arith.constant 580 : i32
    %dma_start3A_568 = arith.constant 0 : i32
    %dma_start3A_569 = tpu.memref_slice %arg6[%dma_start3A_567, %dma_start3A_568] : memref<644x128xf32, #tpu.memory_space<vmem>> -> memref<24x128xf32, #tpu.memory_space<vmem>>
    %dma_start3A_570 = arith.constant 0 : i32
    %dma_start3A_571 = arith.constant 0 : i32
    %dma_start3A_572 = tpu.memref_slice %arg4[%add3A_566, %dma_start3A_570, %dma_start3A_571] : memref<1024x24x128xf32, #tpu.memory_space<hbm>> -> memref<1x24x128xf32, #tpu.memory_space<hbm>>
    %dma_start3A_573 = tpu.memref_squeeze %dma_start3A_572 : memref<1x24x128xf32, #tpu.memory_space<hbm>> -> memref<24x128xf32, #tpu.memory_space<hbm>>
    %dma_start3A_574 = arith.constant 0 : i32
    %dma_start3A_575 = arith.constant 0 : i32
    %dma_start3A_576 = tpu.memref_slice %arg4[%add3A_566, %dma_start3A_574, %dma_start3A_575] : memref<1024x24x128xf32, #tpu.memory_space<hbm>> -> memref<1x24x128xf32, #tpu.memory_space<hbm>>
    %dma_start3A_577 = tpu.memref_squeeze %dma_start3A_576 : memref<1x24x128xf32, #tpu.memory_space<hbm>> -> memref<24x128xf32, #tpu.memory_space<hbm>>
    %dma_start3A_578 = arith.constant 580 : i32
    %dma_start3A_579 = arith.constant 0 : i32
    %dma_start3A_580 = tpu.memref_slice %arg6[%dma_start3A_578, %dma_start3A_579] : memref<644x128xf32, #tpu.memory_space<vmem>> -> memref<24x128xf32, #tpu.memory_space<vmem>>
    tpu.enqueue_dma source(%dma_start3A_580 : memref<24x128xf32, #tpu.memory_space<vmem>>) target(%dma_start3A_577 : memref<24x128xf32, #tpu.memory_space<hbm>>) target_semaphore(%arg12 : memref<!tpu.dma_semaphore, #tpu.memory_space<semaphore_mem>>)
    %add3A_581 = arith.constant 30 : i32
    %add3A_582 = arith.addi %mul3A_51, %add3A_581 : i32
    %dma_start3A_583 = arith.constant 600 : i32
    %dma_start3A_584 = arith.constant 0 : i32
    %dma_start3A_585 = tpu.memref_slice %arg6[%dma_start3A_583, %dma_start3A_584] : memref<644x128xf32, #tpu.memory_space<vmem>> -> memref<24x128xf32, #tpu.memory_space<vmem>>
    %dma_start3A_586 = arith.constant 0 : i32
    %dma_start3A_587 = arith.constant 0 : i32
    %dma_start3A_588 = tpu.memref_slice %arg4[%add3A_582, %dma_start3A_586, %dma_start3A_587] : memref<1024x24x128xf32, #tpu.memory_space<hbm>> -> memref<1x24x128xf32, #tpu.memory_space<hbm>>
    %dma_start3A_589 = tpu.memref_squeeze %dma_start3A_588 : memref<1x24x128xf32, #tpu.memory_space<hbm>> -> memref<24x128xf32, #tpu.memory_space<hbm>>
    %dma_start3A_590 = arith.constant 0 : i32
    %dma_start3A_591 = arith.constant 0 : i32
    %dma_start3A_592 = tpu.memref_slice %arg4[%add3A_582, %dma_start3A_590, %dma_start3A_591] : memref<1024x24x128xf32, #tpu.memory_space<hbm>> -> memref<1x24x128xf32, #tpu.memory_space<hbm>>
    %dma_start3A_593 = tpu.memref_squeeze %dma_start3A_592 : memref<1x24x128xf32, #tpu.memory_space<hbm>> -> memref<24x128xf32, #tpu.memory_space<hbm>>
    %dma_start3A_594 = arith.constant 600 : i32
    %dma_start3A_595 = arith.constant 0 : i32
    %dma_start3A_596 = tpu.memref_slice %arg6[%dma_start3A_594, %dma_start3A_595] : memref<644x128xf32, #tpu.memory_space<vmem>> -> memref<24x128xf32, #tpu.memory_space<vmem>>
    tpu.enqueue_dma source(%dma_start3A_596 : memref<24x128xf32, #tpu.memory_space<vmem>>) target(%dma_start3A_593 : memref<24x128xf32, #tpu.memory_space<hbm>>) target_semaphore(%arg12 : memref<!tpu.dma_semaphore, #tpu.memory_space<semaphore_mem>>)
    %add3A_597 = arith.constant 31 : i32
    %add3A_598 = arith.addi %mul3A_51, %add3A_597 : i32
    %dma_start3A_599 = arith.constant 620 : i32
    %dma_start3A_600 = arith.constant 0 : i32
    %dma_start3A_601 = tpu.memref_slice %arg6[%dma_start3A_599, %dma_start3A_600] : memref<644x128xf32, #tpu.memory_space<vmem>> -> memref<24x128xf32, #tpu.memory_space<vmem>>
    %dma_start3A_602 = arith.constant 0 : i32
    %dma_start3A_603 = arith.constant 0 : i32
    %dma_start3A_604 = tpu.memref_slice %arg4[%add3A_598, %dma_start3A_602, %dma_start3A_603] : memref<1024x24x128xf32, #tpu.memory_space<hbm>> -> memref<1x24x128xf32, #tpu.memory_space<hbm>>
    %dma_start3A_605 = tpu.memref_squeeze %dma_start3A_604 : memref<1x24x128xf32, #tpu.memory_space<hbm>> -> memref<24x128xf32, #tpu.memory_space<hbm>>
    %dma_start3A_606 = arith.constant 0 : i32
    %dma_start3A_607 = arith.constant 0 : i32
    %dma_start3A_608 = tpu.memref_slice %arg4[%add3A_598, %dma_start3A_606, %dma_start3A_607] : memref<1024x24x128xf32, #tpu.memory_space<hbm>> -> memref<1x24x128xf32, #tpu.memory_space<hbm>>
    %dma_start3A_609 = tpu.memref_squeeze %dma_start3A_608 : memref<1x24x128xf32, #tpu.memory_space<hbm>> -> memref<24x128xf32, #tpu.memory_space<hbm>>
    %dma_start3A_610 = arith.constant 620 : i32
    %dma_start3A_611 = arith.constant 0 : i32
    %dma_start3A_612 = tpu.memref_slice %arg6[%dma_start3A_610, %dma_start3A_611] : memref<644x128xf32, #tpu.memory_space<vmem>> -> memref<24x128xf32, #tpu.memory_space<vmem>>
    tpu.enqueue_dma source(%dma_start3A_612 : memref<24x128xf32, #tpu.memory_space<vmem>>) target(%dma_start3A_609 : memref<24x128xf32, #tpu.memory_space<hbm>>) target_semaphore(%arg12 : memref<!tpu.dma_semaphore, #tpu.memory_space<semaphore_mem>>)
    %dma_wait3A_613 = arith.constant 0 : i32
    %dma_wait3A_614 = arith.constant 0 : i32
    %dma_wait3A_615 = tpu.memref_slice %arg6[%dma_wait3A_613, %dma_wait3A_614] : memref<644x128xf32, #tpu.memory_space<vmem>> -> memref<24x128xf32, #tpu.memory_space<vmem>>
    %dma_wait3A_616 = arith.constant 0 : i32
    %dma_wait3A_617 = arith.constant 0 : i32
    %dma_wait3A_618 = tpu.memref_slice %arg4[%add3A_62, %dma_wait3A_616, %dma_wait3A_617] : memref<1024x24x128xf32, #tpu.memory_space<hbm>> -> memref<1x24x128xf32, #tpu.memory_space<hbm>>
    %dma_wait3A_619 = tpu.memref_squeeze %dma_wait3A_618 : memref<1x24x128xf32, #tpu.memory_space<hbm>> -> memref<24x128xf32, #tpu.memory_space<hbm>>
    %dma_wait3A_620 = arith.constant 0 : i32
    %dma_wait3A_621 = arith.constant 0 : i32
    %dma_wait3A_622 = tpu.memref_slice %arg4[%add3A_62, %dma_wait3A_620, %dma_wait3A_621] : memref<1024x24x128xf32, #tpu.memory_space<hbm>> -> memref<1x24x128xf32, #tpu.memory_space<hbm>>
    %dma_wait3A_623 = tpu.memref_squeeze %dma_wait3A_622 : memref<1x24x128xf32, #tpu.memory_space<hbm>> -> memref<24x128xf32, #tpu.memory_space<hbm>>
    %dma_wait3A_624 = arith.constant 0 : i32
    %dma_wait3A_625 = arith.constant 0 : i32
    %dma_wait3A_626 = tpu.memref_slice %arg6[%dma_wait3A_624, %dma_wait3A_625] : memref<644x128xf32, #tpu.memory_space<vmem>> -> memref<24x128xf32, #tpu.memory_space<vmem>>
    tpu.wait_dma2 semaphore(%arg12 : memref<!tpu.dma_semaphore, #tpu.memory_space<semaphore_mem>>) src(%dma_wait3A_626 : memref<24x128xf32, #tpu.memory_space<vmem>>) dst(%dma_wait3A_623 : memref<24x128xf32, #tpu.memory_space<hbm>>)
    %dma_wait3A_627 = arith.constant 20 : i32
    %dma_wait3A_628 = arith.constant 0 : i32
    %dma_wait3A_629 = tpu.memref_slice %arg6[%dma_wait3A_627, %dma_wait3A_628] : memref<644x128xf32, #tpu.memory_space<vmem>> -> memref<24x128xf32, #tpu.memory_space<vmem>>
    %dma_wait3A_630 = arith.constant 0 : i32
    %dma_wait3A_631 = arith.constant 0 : i32
    %dma_wait3A_632 = tpu.memref_slice %arg4[%add3A_78, %dma_wait3A_630, %dma_wait3A_631] : memref<1024x24x128xf32, #tpu.memory_space<hbm>> -> memref<1x24x128xf32, #tpu.memory_space<hbm>>
    %dma_wait3A_633 = tpu.memref_squeeze %dma_wait3A_632 : memref<1x24x128xf32, #tpu.memory_space<hbm>> -> memref<24x128xf32, #tpu.memory_space<hbm>>
    %dma_wait3A_634 = arith.constant 0 : i32
    %dma_wait3A_635 = arith.constant 0 : i32
    %dma_wait3A_636 = tpu.memref_slice %arg4[%add3A_78, %dma_wait3A_634, %dma_wait3A_635] : memref<1024x24x128xf32, #tpu.memory_space<hbm>> -> memref<1x24x128xf32, #tpu.memory_space<hbm>>
    %dma_wait3A_637 = tpu.memref_squeeze %dma_wait3A_636 : memref<1x24x128xf32, #tpu.memory_space<hbm>> -> memref<24x128xf32, #tpu.memory_space<hbm>>
    %dma_wait3A_638 = arith.constant 20 : i32
    %dma_wait3A_639 = arith.constant 0 : i32
    %dma_wait3A_640 = tpu.memref_slice %arg6[%dma_wait3A_638, %dma_wait3A_639] : memref<644x128xf32, #tpu.memory_space<vmem>> -> memref<24x128xf32, #tpu.memory_space<vmem>>
    tpu.wait_dma2 semaphore(%arg12 : memref<!tpu.dma_semaphore, #tpu.memory_space<semaphore_mem>>) src(%dma_wait3A_640 : memref<24x128xf32, #tpu.memory_space<vmem>>) dst(%dma_wait3A_637 : memref<24x128xf32, #tpu.memory_space<hbm>>)
    %dma_wait3A_641 = arith.constant 40 : i32
    %dma_wait3A_642 = arith.constant 0 : i32
    %dma_wait3A_643 = tpu.memref_slice %arg6[%dma_wait3A_641, %dma_wait3A_642] : memref<644x128xf32, #tpu.memory_space<vmem>> -> memref<24x128xf32, #tpu.memory_space<vmem>>
    %dma_wait3A_644 = arith.constant 0 : i32
    %dma_wait3A_645 = arith.constant 0 : i32
    %dma_wait3A_646 = tpu.memref_slice %arg4[%add3A_94, %dma_wait3A_644, %dma_wait3A_645] : memref<1024x24x128xf32, #tpu.memory_space<hbm>> -> memref<1x24x128xf32, #tpu.memory_space<hbm>>
    %dma_wait3A_647 = tpu.memref_squeeze %dma_wait3A_646 : memref<1x24x128xf32, #tpu.memory_space<hbm>> -> memref<24x128xf32, #tpu.memory_space<hbm>>
    %dma_wait3A_648 = arith.constant 0 : i32
    %dma_wait3A_649 = arith.constant 0 : i32
    %dma_wait3A_650 = tpu.memref_slice %arg4[%add3A_94, %dma_wait3A_648, %dma_wait3A_649] : memref<1024x24x128xf32, #tpu.memory_space<hbm>> -> memref<1x24x128xf32, #tpu.memory_space<hbm>>
    %dma_wait3A_651 = tpu.memref_squeeze %dma_wait3A_650 : memref<1x24x128xf32, #tpu.memory_space<hbm>> -> memref<24x128xf32, #tpu.memory_space<hbm>>
    %dma_wait3A_652 = arith.constant 40 : i32
    %dma_wait3A_653 = arith.constant 0 : i32
    %dma_wait3A_654 = tpu.memref_slice %arg6[%dma_wait3A_652, %dma_wait3A_653] : memref<644x128xf32, #tpu.memory_space<vmem>> -> memref<24x128xf32, #tpu.memory_space<vmem>>
    tpu.wait_dma2 semaphore(%arg12 : memref<!tpu.dma_semaphore, #tpu.memory_space<semaphore_mem>>) src(%dma_wait3A_654 : memref<24x128xf32, #tpu.memory_space<vmem>>) dst(%dma_wait3A_651 : memref<24x128xf32, #tpu.memory_space<hbm>>)
    %dma_wait3A_655 = arith.constant 60 : i32
    %dma_wait3A_656 = arith.constant 0 : i32
    %dma_wait3A_657 = tpu.memref_slice %arg6[%dma_wait3A_655, %dma_wait3A_656] : memref<644x128xf32, #tpu.memory_space<vmem>> -> memref<24x128xf32, #tpu.memory_space<vmem>>
    %dma_wait3A_658 = arith.constant 0 : i32
    %dma_wait3A_659 = arith.constant 0 : i32
    %dma_wait3A_660 = tpu.memref_slice %arg4[%add3A_110, %dma_wait3A_658, %dma_wait3A_659] : memref<1024x24x128xf32, #tpu.memory_space<hbm>> -> memref<1x24x128xf32, #tpu.memory_space<hbm>>
    %dma_wait3A_661 = tpu.memref_squeeze %dma_wait3A_660 : memref<1x24x128xf32, #tpu.memory_space<hbm>> -> memref<24x128xf32, #tpu.memory_space<hbm>>
    %dma_wait3A_662 = arith.constant 0 : i32
    %dma_wait3A_663 = arith.constant 0 : i32
    %dma_wait3A_664 = tpu.memref_slice %arg4[%add3A_110, %dma_wait3A_662, %dma_wait3A_663] : memref<1024x24x128xf32, #tpu.memory_space<hbm>> -> memref<1x24x128xf32, #tpu.memory_space<hbm>>
    %dma_wait3A_665 = tpu.memref_squeeze %dma_wait3A_664 : memref<1x24x128xf32, #tpu.memory_space<hbm>> -> memref<24x128xf32, #tpu.memory_space<hbm>>
    %dma_wait3A_666 = arith.constant 60 : i32
    %dma_wait3A_667 = arith.constant 0 : i32
    %dma_wait3A_668 = tpu.memref_slice %arg6[%dma_wait3A_666, %dma_wait3A_667] : memref<644x128xf32, #tpu.memory_space<vmem>> -> memref<24x128xf32, #tpu.memory_space<vmem>>
    tpu.wait_dma2 semaphore(%arg12 : memref<!tpu.dma_semaphore, #tpu.memory_space<semaphore_mem>>) src(%dma_wait3A_668 : memref<24x128xf32, #tpu.memory_space<vmem>>) dst(%dma_wait3A_665 : memref<24x128xf32, #tpu.memory_space<hbm>>)
    %dma_wait3A_669 = arith.constant 80 : i32
    %dma_wait3A_670 = arith.constant 0 : i32
    %dma_wait3A_671 = tpu.memref_slice %arg6[%dma_wait3A_669, %dma_wait3A_670] : memref<644x128xf32, #tpu.memory_space<vmem>> -> memref<24x128xf32, #tpu.memory_space<vmem>>
    %dma_wait3A_672 = arith.constant 0 : i32
    %dma_wait3A_673 = arith.constant 0 : i32
    %dma_wait3A_674 = tpu.memref_slice %arg4[%add3A_126, %dma_wait3A_672, %dma_wait3A_673] : memref<1024x24x128xf32, #tpu.memory_space<hbm>> -> memref<1x24x128xf32, #tpu.memory_space<hbm>>
    %dma_wait3A_675 = tpu.memref_squeeze %dma_wait3A_674 : memref<1x24x128xf32, #tpu.memory_space<hbm>> -> memref<24x128xf32, #tpu.memory_space<hbm>>
    %dma_wait3A_676 = arith.constant 0 : i32
    %dma_wait3A_677 = arith.constant 0 : i32
    %dma_wait3A_678 = tpu.memref_slice %arg4[%add3A_126, %dma_wait3A_676, %dma_wait3A_677] : memref<1024x24x128xf32, #tpu.memory_space<hbm>> -> memref<1x24x128xf32, #tpu.memory_space<hbm>>
    %dma_wait3A_679 = tpu.memref_squeeze %dma_wait3A_678 : memref<1x24x128xf32, #tpu.memory_space<hbm>> -> memref<24x128xf32, #tpu.memory_space<hbm>>
    %dma_wait3A_680 = arith.constant 80 : i32
    %dma_wait3A_681 = arith.constant 0 : i32
    %dma_wait3A_682 = tpu.memref_slice %arg6[%dma_wait3A_680, %dma_wait3A_681] : memref<644x128xf32, #tpu.memory_space<vmem>> -> memref<24x128xf32, #tpu.memory_space<vmem>>
    tpu.wait_dma2 semaphore(%arg12 : memref<!tpu.dma_semaphore, #tpu.memory_space<semaphore_mem>>) src(%dma_wait3A_682 : memref<24x128xf32, #tpu.memory_space<vmem>>) dst(%dma_wait3A_679 : memref<24x128xf32, #tpu.memory_space<hbm>>)
    %dma_wait3A_683 = arith.constant 100 : i32
    %dma_wait3A_684 = arith.constant 0 : i32
    %dma_wait3A_685 = tpu.memref_slice %arg6[%dma_wait3A_683, %dma_wait3A_684] : memref<644x128xf32, #tpu.memory_space<vmem>> -> memref<24x128xf32, #tpu.memory_space<vmem>>
    %dma_wait3A_686 = arith.constant 0 : i32
    %dma_wait3A_687 = arith.constant 0 : i32
    %dma_wait3A_688 = tpu.memref_slice %arg4[%add3A_142, %dma_wait3A_686, %dma_wait3A_687] : memref<1024x24x128xf32, #tpu.memory_space<hbm>> -> memref<1x24x128xf32, #tpu.memory_space<hbm>>
    %dma_wait3A_689 = tpu.memref_squeeze %dma_wait3A_688 : memref<1x24x128xf32, #tpu.memory_space<hbm>> -> memref<24x128xf32, #tpu.memory_space<hbm>>
    %dma_wait3A_690 = arith.constant 0 : i32
    %dma_wait3A_691 = arith.constant 0 : i32
    %dma_wait3A_692 = tpu.memref_slice %arg4[%add3A_142, %dma_wait3A_690, %dma_wait3A_691] : memref<1024x24x128xf32, #tpu.memory_space<hbm>> -> memref<1x24x128xf32, #tpu.memory_space<hbm>>
    %dma_wait3A_693 = tpu.memref_squeeze %dma_wait3A_692 : memref<1x24x128xf32, #tpu.memory_space<hbm>> -> memref<24x128xf32, #tpu.memory_space<hbm>>
    %dma_wait3A_694 = arith.constant 100 : i32
    %dma_wait3A_695 = arith.constant 0 : i32
    %dma_wait3A_696 = tpu.memref_slice %arg6[%dma_wait3A_694, %dma_wait3A_695] : memref<644x128xf32, #tpu.memory_space<vmem>> -> memref<24x128xf32, #tpu.memory_space<vmem>>
    tpu.wait_dma2 semaphore(%arg12 : memref<!tpu.dma_semaphore, #tpu.memory_space<semaphore_mem>>) src(%dma_wait3A_696 : memref<24x128xf32, #tpu.memory_space<vmem>>) dst(%dma_wait3A_693 : memref<24x128xf32, #tpu.memory_space<hbm>>)
    %dma_wait3A_697 = arith.constant 120 : i32
    %dma_wait3A_698 = arith.constant 0 : i32
    %dma_wait3A_699 = tpu.memref_slice %arg6[%dma_wait3A_697, %dma_wait3A_698] : memref<644x128xf32, #tpu.memory_space<vmem>> -> memref<24x128xf32, #tpu.memory_space<vmem>>
    %dma_wait3A_700 = arith.constant 0 : i32
    %dma_wait3A_701 = arith.constant 0 : i32
    %dma_wait3A_702 = tpu.memref_slice %arg4[%add3A_168, %dma_wait3A_700, %dma_wait3A_701] : memref<1024x24x128xf32, #tpu.memory_space<hbm>> -> memref<1x24x128xf32, #tpu.memory_space<hbm>>
    %dma_wait3A_703 = tpu.memref_squeeze %dma_wait3A_702 : memref<1x24x128xf32, #tpu.memory_space<hbm>> -> memref<24x128xf32, #tpu.memory_space<hbm>>
    %dma_wait3A_704 = arith.constant 0 : i32
    %dma_wait3A_705 = arith.constant 0 : i32
    %dma_wait3A_706 = tpu.memref_slice %arg4[%add3A_168, %dma_wait3A_704, %dma_wait3A_705] : memref<1024x24x128xf32, #tpu.memory_space<hbm>> -> memref<1x24x128xf32, #tpu.memory_space<hbm>>
    %dma_wait3A_707 = tpu.memref_squeeze %dma_wait3A_706 : memref<1x24x128xf32, #tpu.memory_space<hbm>> -> memref<24x128xf32, #tpu.memory_space<hbm>>
    %dma_wait3A_708 = arith.constant 120 : i32
    %dma_wait3A_709 = arith.constant 0 : i32
    %dma_wait3A_710 = tpu.memref_slice %arg6[%dma_wait3A_708, %dma_wait3A_709] : memref<644x128xf32, #tpu.memory_space<vmem>> -> memref<24x128xf32, #tpu.memory_space<vmem>>
    tpu.wait_dma2 semaphore(%arg12 : memref<!tpu.dma_semaphore, #tpu.memory_space<semaphore_mem>>) src(%dma_wait3A_710 : memref<24x128xf32, #tpu.memory_space<vmem>>) dst(%dma_wait3A_707 : memref<24x128xf32, #tpu.memory_space<hbm>>)
    %dma_wait3A_711 = arith.constant 140 : i32
    %dma_wait3A_712 = arith.constant 0 : i32
    %dma_wait3A_713 = tpu.memref_slice %arg6[%dma_wait3A_711, %dma_wait3A_712] : memref<644x128xf32, #tpu.memory_space<vmem>> -> memref<24x128xf32, #tpu.memory_space<vmem>>
    %dma_wait3A_714 = arith.constant 0 : i32
    %dma_wait3A_715 = arith.constant 0 : i32
    %dma_wait3A_716 = tpu.memref_slice %arg4[%add3A_184, %dma_wait3A_714, %dma_wait3A_715] : memref<1024x24x128xf32, #tpu.memory_space<hbm>> -> memref<1x24x128xf32, #tpu.memory_space<hbm>>
    %dma_wait3A_717 = tpu.memref_squeeze %dma_wait3A_716 : memref<1x24x128xf32, #tpu.memory_space<hbm>> -> memref<24x128xf32, #tpu.memory_space<hbm>>
    %dma_wait3A_718 = arith.constant 0 : i32
    %dma_wait3A_719 = arith.constant 0 : i32
    %dma_wait3A_720 = tpu.memref_slice %arg4[%add3A_184, %dma_wait3A_718, %dma_wait3A_719] : memref<1024x24x128xf32, #tpu.memory_space<hbm>> -> memref<1x24x128xf32, #tpu.memory_space<hbm>>
    %dma_wait3A_721 = tpu.memref_squeeze %dma_wait3A_720 : memref<1x24x128xf32, #tpu.memory_space<hbm>> -> memref<24x128xf32, #tpu.memory_space<hbm>>
    %dma_wait3A_722 = arith.constant 140 : i32
    %dma_wait3A_723 = arith.constant 0 : i32
    %dma_wait3A_724 = tpu.memref_slice %arg6[%dma_wait3A_722, %dma_wait3A_723] : memref<644x128xf32, #tpu.memory_space<vmem>> -> memref<24x128xf32, #tpu.memory_space<vmem>>
    tpu.wait_dma2 semaphore(%arg12 : memref<!tpu.dma_semaphore, #tpu.memory_space<semaphore_mem>>) src(%dma_wait3A_724 : memref<24x128xf32, #tpu.memory_space<vmem>>) dst(%dma_wait3A_721 : memref<24x128xf32, #tpu.memory_space<hbm>>)
    %dma_wait3A_725 = arith.constant 160 : i32
    %dma_wait3A_726 = arith.constant 0 : i32
    %dma_wait3A_727 = tpu.memref_slice %arg6[%dma_wait3A_725, %dma_wait3A_726] : memref<644x128xf32, #tpu.memory_space<vmem>> -> memref<24x128xf32, #tpu.memory_space<vmem>>
    %dma_wait3A_728 = arith.constant 0 : i32
    %dma_wait3A_729 = arith.constant 0 : i32
    %dma_wait3A_730 = tpu.memref_slice %arg4[%add3A_200, %dma_wait3A_728, %dma_wait3A_729] : memref<1024x24x128xf32, #tpu.memory_space<hbm>> -> memref<1x24x128xf32, #tpu.memory_space<hbm>>
    %dma_wait3A_731 = tpu.memref_squeeze %dma_wait3A_730 : memref<1x24x128xf32, #tpu.memory_space<hbm>> -> memref<24x128xf32, #tpu.memory_space<hbm>>
    %dma_wait3A_732 = arith.constant 0 : i32
    %dma_wait3A_733 = arith.constant 0 : i32
    %dma_wait3A_734 = tpu.memref_slice %arg4[%add3A_200, %dma_wait3A_732, %dma_wait3A_733] : memref<1024x24x128xf32, #tpu.memory_space<hbm>> -> memref<1x24x128xf32, #tpu.memory_space<hbm>>
    %dma_wait3A_735 = tpu.memref_squeeze %dma_wait3A_734 : memref<1x24x128xf32, #tpu.memory_space<hbm>> -> memref<24x128xf32, #tpu.memory_space<hbm>>
    %dma_wait3A_736 = arith.constant 160 : i32
    %dma_wait3A_737 = arith.constant 0 : i32
    %dma_wait3A_738 = tpu.memref_slice %arg6[%dma_wait3A_736, %dma_wait3A_737] : memref<644x128xf32, #tpu.memory_space<vmem>> -> memref<24x128xf32, #tpu.memory_space<vmem>>
    tpu.wait_dma2 semaphore(%arg12 : memref<!tpu.dma_semaphore, #tpu.memory_space<semaphore_mem>>) src(%dma_wait3A_738 : memref<24x128xf32, #tpu.memory_space<vmem>>) dst(%dma_wait3A_735 : memref<24x128xf32, #tpu.memory_space<hbm>>)
    %dma_wait3A_739 = arith.constant 180 : i32
    %dma_wait3A_740 = arith.constant 0 : i32
    %dma_wait3A_741 = tpu.memref_slice %arg6[%dma_wait3A_739, %dma_wait3A_740] : memref<644x128xf32, #tpu.memory_space<vmem>> -> memref<24x128xf32, #tpu.memory_space<vmem>>
    %dma_wait3A_742 = arith.constant 0 : i32
    %dma_wait3A_743 = arith.constant 0 : i32
    %dma_wait3A_744 = tpu.memref_slice %arg4[%add3A_216, %dma_wait3A_742, %dma_wait3A_743] : memref<1024x24x128xf32, #tpu.memory_space<hbm>> -> memref<1x24x128xf32, #tpu.memory_space<hbm>>
    %dma_wait3A_745 = tpu.memref_squeeze %dma_wait3A_744 : memref<1x24x128xf32, #tpu.memory_space<hbm>> -> memref<24x128xf32, #tpu.memory_space<hbm>>
    %dma_wait3A_746 = arith.constant 0 : i32
    %dma_wait3A_747 = arith.constant 0 : i32
    %dma_wait3A_748 = tpu.memref_slice %arg4[%add3A_216, %dma_wait3A_746, %dma_wait3A_747] : memref<1024x24x128xf32, #tpu.memory_space<hbm>> -> memref<1x24x128xf32, #tpu.memory_space<hbm>>
    %dma_wait3A_749 = tpu.memref_squeeze %dma_wait3A_748 : memref<1x24x128xf32, #tpu.memory_space<hbm>> -> memref<24x128xf32, #tpu.memory_space<hbm>>
    %dma_wait3A_750 = arith.constant 180 : i32
    %dma_wait3A_751 = arith.constant 0 : i32
    %dma_wait3A_752 = tpu.memref_slice %arg6[%dma_wait3A_750, %dma_wait3A_751] : memref<644x128xf32, #tpu.memory_space<vmem>> -> memref<24x128xf32, #tpu.memory_space<vmem>>
    tpu.wait_dma2 semaphore(%arg12 : memref<!tpu.dma_semaphore, #tpu.memory_space<semaphore_mem>>) src(%dma_wait3A_752 : memref<24x128xf32, #tpu.memory_space<vmem>>) dst(%dma_wait3A_749 : memref<24x128xf32, #tpu.memory_space<hbm>>)
    %dma_wait3A_753 = arith.constant 200 : i32
    %dma_wait3A_754 = arith.constant 0 : i32
    %dma_wait3A_755 = tpu.memref_slice %arg6[%dma_wait3A_753, %dma_wait3A_754] : memref<644x128xf32, #tpu.memory_space<vmem>> -> memref<24x128xf32, #tpu.memory_space<vmem>>
    %dma_wait3A_756 = arith.constant 0 : i32
    %dma_wait3A_757 = arith.constant 0 : i32
    %dma_wait3A_758 = tpu.memref_slice %arg4[%add3A_232, %dma_wait3A_756, %dma_wait3A_757] : memref<1024x24x128xf32, #tpu.memory_space<hbm>> -> memref<1x24x128xf32, #tpu.memory_space<hbm>>
    %dma_wait3A_759 = tpu.memref_squeeze %dma_wait3A_758 : memref<1x24x128xf32, #tpu.memory_space<hbm>> -> memref<24x128xf32, #tpu.memory_space<hbm>>
    %dma_wait3A_760 = arith.constant 0 : i32
    %dma_wait3A_761 = arith.constant 0 : i32
    %dma_wait3A_762 = tpu.memref_slice %arg4[%add3A_232, %dma_wait3A_760, %dma_wait3A_761] : memref<1024x24x128xf32, #tpu.memory_space<hbm>> -> memref<1x24x128xf32, #tpu.memory_space<hbm>>
    %dma_wait3A_763 = tpu.memref_squeeze %dma_wait3A_762 : memref<1x24x128xf32, #tpu.memory_space<hbm>> -> memref<24x128xf32, #tpu.memory_space<hbm>>
    %dma_wait3A_764 = arith.constant 200 : i32
    %dma_wait3A_765 = arith.constant 0 : i32
    %dma_wait3A_766 = tpu.memref_slice %arg6[%dma_wait3A_764, %dma_wait3A_765] : memref<644x128xf32, #tpu.memory_space<vmem>> -> memref<24x128xf32, #tpu.memory_space<vmem>>
    tpu.wait_dma2 semaphore(%arg12 : memref<!tpu.dma_semaphore, #tpu.memory_space<semaphore_mem>>) src(%dma_wait3A_766 : memref<24x128xf32, #tpu.memory_space<vmem>>) dst(%dma_wait3A_763 : memref<24x128xf32, #tpu.memory_space<hbm>>)
    %dma_wait3A_767 = arith.constant 220 : i32
    %dma_wait3A_768 = arith.constant 0 : i32
    %dma_wait3A_769 = tpu.memref_slice %arg6[%dma_wait3A_767, %dma_wait3A_768] : memref<644x128xf32, #tpu.memory_space<vmem>> -> memref<24x128xf32, #tpu.memory_space<vmem>>
    %dma_wait3A_770 = arith.constant 0 : i32
    %dma_wait3A_771 = arith.constant 0 : i32
    %dma_wait3A_772 = tpu.memref_slice %arg4[%add3A_248, %dma_wait3A_770, %dma_wait3A_771] : memref<1024x24x128xf32, #tpu.memory_space<hbm>> -> memref<1x24x128xf32, #tpu.memory_space<hbm>>
    %dma_wait3A_773 = tpu.memref_squeeze %dma_wait3A_772 : memref<1x24x128xf32, #tpu.memory_space<hbm>> -> memref<24x128xf32, #tpu.memory_space<hbm>>
    %dma_wait3A_774 = arith.constant 0 : i32
    %dma_wait3A_775 = arith.constant 0 : i32
    %dma_wait3A_776 = tpu.memref_slice %arg4[%add3A_248, %dma_wait3A_774, %dma_wait3A_775] : memref<1024x24x128xf32, #tpu.memory_space<hbm>> -> memref<1x24x128xf32, #tpu.memory_space<hbm>>
    %dma_wait3A_777 = tpu.memref_squeeze %dma_wait3A_776 : memref<1x24x128xf32, #tpu.memory_space<hbm>> -> memref<24x128xf32, #tpu.memory_space<hbm>>
    %dma_wait3A_778 = arith.constant 220 : i32
    %dma_wait3A_779 = arith.constant 0 : i32
    %dma_wait3A_780 = tpu.memref_slice %arg6[%dma_wait3A_778, %dma_wait3A_779] : memref<644x128xf32, #tpu.memory_space<vmem>> -> memref<24x128xf32, #tpu.memory_space<vmem>>
    tpu.wait_dma2 semaphore(%arg12 : memref<!tpu.dma_semaphore, #tpu.memory_space<semaphore_mem>>) src(%dma_wait3A_780 : memref<24x128xf32, #tpu.memory_space<vmem>>) dst(%dma_wait3A_777 : memref<24x128xf32, #tpu.memory_space<hbm>>)
    %dma_wait3A_781 = arith.constant 240 : i32
    %dma_wait3A_782 = arith.constant 0 : i32
    %dma_wait3A_783 = tpu.memref_slice %arg6[%dma_wait3A_781, %dma_wait3A_782] : memref<644x128xf32, #tpu.memory_space<vmem>> -> memref<24x128xf32, #tpu.memory_space<vmem>>
    %dma_wait3A_784 = arith.constant 0 : i32
    %dma_wait3A_785 = arith.constant 0 : i32
    %dma_wait3A_786 = tpu.memref_slice %arg4[%add3A_274, %dma_wait3A_784, %dma_wait3A_785] : memref<1024x24x128xf32, #tpu.memory_space<hbm>> -> memref<1x24x128xf32, #tpu.memory_space<hbm>>
    %dma_wait3A_787 = tpu.memref_squeeze %dma_wait3A_786 : memref<1x24x128xf32, #tpu.memory_space<hbm>> -> memref<24x128xf32, #tpu.memory_space<hbm>>
    %dma_wait3A_788 = arith.constant 0 : i32
    %dma_wait3A_789 = arith.constant 0 : i32
    %dma_wait3A_790 = tpu.memref_slice %arg4[%add3A_274, %dma_wait3A_788, %dma_wait3A_789] : memref<1024x24x128xf32, #tpu.memory_space<hbm>> -> memref<1x24x128xf32, #tpu.memory_space<hbm>>
    %dma_wait3A_791 = tpu.memref_squeeze %dma_wait3A_790 : memref<1x24x128xf32, #tpu.memory_space<hbm>> -> memref<24x128xf32, #tpu.memory_space<hbm>>
    %dma_wait3A_792 = arith.constant 240 : i32
    %dma_wait3A_793 = arith.constant 0 : i32
    %dma_wait3A_794 = tpu.memref_slice %arg6[%dma_wait3A_792, %dma_wait3A_793] : memref<644x128xf32, #tpu.memory_space<vmem>> -> memref<24x128xf32, #tpu.memory_space<vmem>>
    tpu.wait_dma2 semaphore(%arg12 : memref<!tpu.dma_semaphore, #tpu.memory_space<semaphore_mem>>) src(%dma_wait3A_794 : memref<24x128xf32, #tpu.memory_space<vmem>>) dst(%dma_wait3A_791 : memref<24x128xf32, #tpu.memory_space<hbm>>)
    %dma_wait3A_795 = arith.constant 260 : i32
    %dma_wait3A_796 = arith.constant 0 : i32
    %dma_wait3A_797 = tpu.memref_slice %arg6[%dma_wait3A_795, %dma_wait3A_796] : memref<644x128xf32, #tpu.memory_space<vmem>> -> memref<24x128xf32, #tpu.memory_space<vmem>>
    %dma_wait3A_798 = arith.constant 0 : i32
    %dma_wait3A_799 = arith.constant 0 : i32
    %dma_wait3A_800 = tpu.memref_slice %arg4[%add3A_290, %dma_wait3A_798, %dma_wait3A_799] : memref<1024x24x128xf32, #tpu.memory_space<hbm>> -> memref<1x24x128xf32, #tpu.memory_space<hbm>>
    %dma_wait3A_801 = tpu.memref_squeeze %dma_wait3A_800 : memref<1x24x128xf32, #tpu.memory_space<hbm>> -> memref<24x128xf32, #tpu.memory_space<hbm>>
    %dma_wait3A_802 = arith.constant 0 : i32
    %dma_wait3A_803 = arith.constant 0 : i32
    %dma_wait3A_804 = tpu.memref_slice %arg4[%add3A_290, %dma_wait3A_802, %dma_wait3A_803] : memref<1024x24x128xf32, #tpu.memory_space<hbm>> -> memref<1x24x128xf32, #tpu.memory_space<hbm>>
    %dma_wait3A_805 = tpu.memref_squeeze %dma_wait3A_804 : memref<1x24x128xf32, #tpu.memory_space<hbm>> -> memref<24x128xf32, #tpu.memory_space<hbm>>
    %dma_wait3A_806 = arith.constant 260 : i32
    %dma_wait3A_807 = arith.constant 0 : i32
    %dma_wait3A_808 = tpu.memref_slice %arg6[%dma_wait3A_806, %dma_wait3A_807] : memref<644x128xf32, #tpu.memory_space<vmem>> -> memref<24x128xf32, #tpu.memory_space<vmem>>
    tpu.wait_dma2 semaphore(%arg12 : memref<!tpu.dma_semaphore, #tpu.memory_space<semaphore_mem>>) src(%dma_wait3A_808 : memref<24x128xf32, #tpu.memory_space<vmem>>) dst(%dma_wait3A_805 : memref<24x128xf32, #tpu.memory_space<hbm>>)
    %dma_wait3A_809 = arith.constant 280 : i32
    %dma_wait3A_810 = arith.constant 0 : i32
    %dma_wait3A_811 = tpu.memref_slice %arg6[%dma_wait3A_809, %dma_wait3A_810] : memref<644x128xf32, #tpu.memory_space<vmem>> -> memref<24x128xf32, #tpu.memory_space<vmem>>
    %dma_wait3A_812 = arith.constant 0 : i32
    %dma_wait3A_813 = arith.constant 0 : i32
    %dma_wait3A_814 = tpu.memref_slice %arg4[%add3A_306, %dma_wait3A_812, %dma_wait3A_813] : memref<1024x24x128xf32, #tpu.memory_space<hbm>> -> memref<1x24x128xf32, #tpu.memory_space<hbm>>
    %dma_wait3A_815 = tpu.memref_squeeze %dma_wait3A_814 : memref<1x24x128xf32, #tpu.memory_space<hbm>> -> memref<24x128xf32, #tpu.memory_space<hbm>>
    %dma_wait3A_816 = arith.constant 0 : i32
    %dma_wait3A_817 = arith.constant 0 : i32
    %dma_wait3A_818 = tpu.memref_slice %arg4[%add3A_306, %dma_wait3A_816, %dma_wait3A_817] : memref<1024x24x128xf32, #tpu.memory_space<hbm>> -> memref<1x24x128xf32, #tpu.memory_space<hbm>>
    %dma_wait3A_819 = tpu.memref_squeeze %dma_wait3A_818 : memref<1x24x128xf32, #tpu.memory_space<hbm>> -> memref<24x128xf32, #tpu.memory_space<hbm>>
    %dma_wait3A_820 = arith.constant 280 : i32
    %dma_wait3A_821 = arith.constant 0 : i32
    %dma_wait3A_822 = tpu.memref_slice %arg6[%dma_wait3A_820, %dma_wait3A_821] : memref<644x128xf32, #tpu.memory_space<vmem>> -> memref<24x128xf32, #tpu.memory_space<vmem>>
    tpu.wait_dma2 semaphore(%arg12 : memref<!tpu.dma_semaphore, #tpu.memory_space<semaphore_mem>>) src(%dma_wait3A_822 : memref<24x128xf32, #tpu.memory_space<vmem>>) dst(%dma_wait3A_819 : memref<24x128xf32, #tpu.memory_space<hbm>>)
    %dma_wait3A_823 = arith.constant 300 : i32
    %dma_wait3A_824 = arith.constant 0 : i32
    %dma_wait3A_825 = tpu.memref_slice %arg6[%dma_wait3A_823, %dma_wait3A_824] : memref<644x128xf32, #tpu.memory_space<vmem>> -> memref<24x128xf32, #tpu.memory_space<vmem>>
    %dma_wait3A_826 = arith.constant 0 : i32
    %dma_wait3A_827 = arith.constant 0 : i32
    %dma_wait3A_828 = tpu.memref_slice %arg4[%add3A_322, %dma_wait3A_826, %dma_wait3A_827] : memref<1024x24x128xf32, #tpu.memory_space<hbm>> -> memref<1x24x128xf32, #tpu.memory_space<hbm>>
    %dma_wait3A_829 = tpu.memref_squeeze %dma_wait3A_828 : memref<1x24x128xf32, #tpu.memory_space<hbm>> -> memref<24x128xf32, #tpu.memory_space<hbm>>
    %dma_wait3A_830 = arith.constant 0 : i32
    %dma_wait3A_831 = arith.constant 0 : i32
    %dma_wait3A_832 = tpu.memref_slice %arg4[%add3A_322, %dma_wait3A_830, %dma_wait3A_831] : memref<1024x24x128xf32, #tpu.memory_space<hbm>> -> memref<1x24x128xf32, #tpu.memory_space<hbm>>
    %dma_wait3A_833 = tpu.memref_squeeze %dma_wait3A_832 : memref<1x24x128xf32, #tpu.memory_space<hbm>> -> memref<24x128xf32, #tpu.memory_space<hbm>>
    %dma_wait3A_834 = arith.constant 300 : i32
    %dma_wait3A_835 = arith.constant 0 : i32
    %dma_wait3A_836 = tpu.memref_slice %arg6[%dma_wait3A_834, %dma_wait3A_835] : memref<644x128xf32, #tpu.memory_space<vmem>> -> memref<24x128xf32, #tpu.memory_space<vmem>>
    tpu.wait_dma2 semaphore(%arg12 : memref<!tpu.dma_semaphore, #tpu.memory_space<semaphore_mem>>) src(%dma_wait3A_836 : memref<24x128xf32, #tpu.memory_space<vmem>>) dst(%dma_wait3A_833 : memref<24x128xf32, #tpu.memory_space<hbm>>)
    %dma_wait3A_837 = arith.constant 320 : i32
    %dma_wait3A_838 = arith.constant 0 : i32
    %dma_wait3A_839 = tpu.memref_slice %arg6[%dma_wait3A_837, %dma_wait3A_838] : memref<644x128xf32, #tpu.memory_space<vmem>> -> memref<24x128xf32, #tpu.memory_space<vmem>>
    %dma_wait3A_840 = arith.constant 0 : i32
    %dma_wait3A_841 = arith.constant 0 : i32
    %dma_wait3A_842 = tpu.memref_slice %arg4[%add3A_338, %dma_wait3A_840, %dma_wait3A_841] : memref<1024x24x128xf32, #tpu.memory_space<hbm>> -> memref<1x24x128xf32, #tpu.memory_space<hbm>>
    %dma_wait3A_843 = tpu.memref_squeeze %dma_wait3A_842 : memref<1x24x128xf32, #tpu.memory_space<hbm>> -> memref<24x128xf32, #tpu.memory_space<hbm>>
    %dma_wait3A_844 = arith.constant 0 : i32
    %dma_wait3A_845 = arith.constant 0 : i32
    %dma_wait3A_846 = tpu.memref_slice %arg4[%add3A_338, %dma_wait3A_844, %dma_wait3A_845] : memref<1024x24x128xf32, #tpu.memory_space<hbm>> -> memref<1x24x128xf32, #tpu.memory_space<hbm>>
    %dma_wait3A_847 = tpu.memref_squeeze %dma_wait3A_846 : memref<1x24x128xf32, #tpu.memory_space<hbm>> -> memref<24x128xf32, #tpu.memory_space<hbm>>
    %dma_wait3A_848 = arith.constant 320 : i32
    %dma_wait3A_849 = arith.constant 0 : i32
    %dma_wait3A_850 = tpu.memref_slice %arg6[%dma_wait3A_848, %dma_wait3A_849] : memref<644x128xf32, #tpu.memory_space<vmem>> -> memref<24x128xf32, #tpu.memory_space<vmem>>
    tpu.wait_dma2 semaphore(%arg12 : memref<!tpu.dma_semaphore, #tpu.memory_space<semaphore_mem>>) src(%dma_wait3A_850 : memref<24x128xf32, #tpu.memory_space<vmem>>) dst(%dma_wait3A_847 : memref<24x128xf32, #tpu.memory_space<hbm>>)
    %dma_wait3A_851 = arith.constant 340 : i32
    %dma_wait3A_852 = arith.constant 0 : i32
    %dma_wait3A_853 = tpu.memref_slice %arg6[%dma_wait3A_851, %dma_wait3A_852] : memref<644x128xf32, #tpu.memory_space<vmem>> -> memref<24x128xf32, #tpu.memory_space<vmem>>
    %dma_wait3A_854 = arith.constant 0 : i32
    %dma_wait3A_855 = arith.constant 0 : i32
    %dma_wait3A_856 = tpu.memref_slice %arg4[%add3A_354, %dma_wait3A_854, %dma_wait3A_855] : memref<1024x24x128xf32, #tpu.memory_space<hbm>> -> memref<1x24x128xf32, #tpu.memory_space<hbm>>
    %dma_wait3A_857 = tpu.memref_squeeze %dma_wait3A_856 : memref<1x24x128xf32, #tpu.memory_space<hbm>> -> memref<24x128xf32, #tpu.memory_space<hbm>>
    %dma_wait3A_858 = arith.constant 0 : i32
    %dma_wait3A_859 = arith.constant 0 : i32
    %dma_wait3A_860 = tpu.memref_slice %arg4[%add3A_354, %dma_wait3A_858, %dma_wait3A_859] : memref<1024x24x128xf32, #tpu.memory_space<hbm>> -> memref<1x24x128xf32, #tpu.memory_space<hbm>>
    %dma_wait3A_861 = tpu.memref_squeeze %dma_wait3A_860 : memref<1x24x128xf32, #tpu.memory_space<hbm>> -> memref<24x128xf32, #tpu.memory_space<hbm>>
    %dma_wait3A_862 = arith.constant 340 : i32
    %dma_wait3A_863 = arith.constant 0 : i32
    %dma_wait3A_864 = tpu.memref_slice %arg6[%dma_wait3A_862, %dma_wait3A_863] : memref<644x128xf32, #tpu.memory_space<vmem>> -> memref<24x128xf32, #tpu.memory_space<vmem>>
    tpu.wait_dma2 semaphore(%arg12 : memref<!tpu.dma_semaphore, #tpu.memory_space<semaphore_mem>>) src(%dma_wait3A_864 : memref<24x128xf32, #tpu.memory_space<vmem>>) dst(%dma_wait3A_861 : memref<24x128xf32, #tpu.memory_space<hbm>>)
    %dma_wait3A_865 = arith.constant 360 : i32
    %dma_wait3A_866 = arith.constant 0 : i32
    %dma_wait3A_867 = tpu.memref_slice %arg6[%dma_wait3A_865, %dma_wait3A_866] : memref<644x128xf32, #tpu.memory_space<vmem>> -> memref<24x128xf32, #tpu.memory_space<vmem>>
    %dma_wait3A_868 = arith.constant 0 : i32
    %dma_wait3A_869 = arith.constant 0 : i32
    %dma_wait3A_870 = tpu.memref_slice %arg4[%add3A_370, %dma_wait3A_868, %dma_wait3A_869] : memref<1024x24x128xf32, #tpu.memory_space<hbm>> -> memref<1x24x128xf32, #tpu.memory_space<hbm>>
    %dma_wait3A_871 = tpu.memref_squeeze %dma_wait3A_870 : memref<1x24x128xf32, #tpu.memory_space<hbm>> -> memref<24x128xf32, #tpu.memory_space<hbm>>
    %dma_wait3A_872 = arith.constant 0 : i32
    %dma_wait3A_873 = arith.constant 0 : i32
    %dma_wait3A_874 = tpu.memref_slice %arg4[%add3A_370, %dma_wait3A_872, %dma_wait3A_873] : memref<1024x24x128xf32, #tpu.memory_space<hbm>> -> memref<1x24x128xf32, #tpu.memory_space<hbm>>
    %dma_wait3A_875 = tpu.memref_squeeze %dma_wait3A_874 : memref<1x24x128xf32, #tpu.memory_space<hbm>> -> memref<24x128xf32, #tpu.memory_space<hbm>>
    %dma_wait3A_876 = arith.constant 360 : i32
    %dma_wait3A_877 = arith.constant 0 : i32
    %dma_wait3A_878 = tpu.memref_slice %arg6[%dma_wait3A_876, %dma_wait3A_877] : memref<644x128xf32, #tpu.memory_space<vmem>> -> memref<24x128xf32, #tpu.memory_space<vmem>>
    tpu.wait_dma2 semaphore(%arg12 : memref<!tpu.dma_semaphore, #tpu.memory_space<semaphore_mem>>) src(%dma_wait3A_878 : memref<24x128xf32, #tpu.memory_space<vmem>>) dst(%dma_wait3A_875 : memref<24x128xf32, #tpu.memory_space<hbm>>)
    %dma_wait3A_879 = arith.constant 380 : i32
    %dma_wait3A_880 = arith.constant 0 : i32
    %dma_wait3A_881 = tpu.memref_slice %arg6[%dma_wait3A_879, %dma_wait3A_880] : memref<644x128xf32, #tpu.memory_space<vmem>> -> memref<24x128xf32, #tpu.memory_space<vmem>>
    %dma_wait3A_882 = arith.constant 0 : i32
    %dma_wait3A_883 = arith.constant 0 : i32
    %dma_wait3A_884 = tpu.memref_slice %arg4[%add3A_396, %dma_wait3A_882, %dma_wait3A_883] : memref<1024x24x128xf32, #tpu.memory_space<hbm>> -> memref<1x24x128xf32, #tpu.memory_space<hbm>>
    %dma_wait3A_885 = tpu.memref_squeeze %dma_wait3A_884 : memref<1x24x128xf32, #tpu.memory_space<hbm>> -> memref<24x128xf32, #tpu.memory_space<hbm>>
    %dma_wait3A_886 = arith.constant 0 : i32
    %dma_wait3A_887 = arith.constant 0 : i32
    %dma_wait3A_888 = tpu.memref_slice %arg4[%add3A_396, %dma_wait3A_886, %dma_wait3A_887] : memref<1024x24x128xf32, #tpu.memory_space<hbm>> -> memref<1x24x128xf32, #tpu.memory_space<hbm>>
    %dma_wait3A_889 = tpu.memref_squeeze %dma_wait3A_888 : memref<1x24x128xf32, #tpu.memory_space<hbm>> -> memref<24x128xf32, #tpu.memory_space<hbm>>
    %dma_wait3A_890 = arith.constant 380 : i32
    %dma_wait3A_891 = arith.constant 0 : i32
    %dma_wait3A_892 = tpu.memref_slice %arg6[%dma_wait3A_890, %dma_wait3A_891] : memref<644x128xf32, #tpu.memory_space<vmem>> -> memref<24x128xf32, #tpu.memory_space<vmem>>
    tpu.wait_dma2 semaphore(%arg12 : memref<!tpu.dma_semaphore, #tpu.memory_space<semaphore_mem>>) src(%dma_wait3A_892 : memref<24x128xf32, #tpu.memory_space<vmem>>) dst(%dma_wait3A_889 : memref<24x128xf32, #tpu.memory_space<hbm>>)
    %dma_wait3A_893 = arith.constant 400 : i32
    %dma_wait3A_894 = arith.constant 0 : i32
    %dma_wait3A_895 = tpu.memref_slice %arg6[%dma_wait3A_893, %dma_wait3A_894] : memref<644x128xf32, #tpu.memory_space<vmem>> -> memref<24x128xf32, #tpu.memory_space<vmem>>
    %dma_wait3A_896 = arith.constant 0 : i32
    %dma_wait3A_897 = arith.constant 0 : i32
    %dma_wait3A_898 = tpu.memref_slice %arg4[%add3A_412, %dma_wait3A_896, %dma_wait3A_897] : memref<1024x24x128xf32, #tpu.memory_space<hbm>> -> memref<1x24x128xf32, #tpu.memory_space<hbm>>
    %dma_wait3A_899 = tpu.memref_squeeze %dma_wait3A_898 : memref<1x24x128xf32, #tpu.memory_space<hbm>> -> memref<24x128xf32, #tpu.memory_space<hbm>>
    %dma_wait3A_900 = arith.constant 0 : i32
    %dma_wait3A_901 = arith.constant 0 : i32
    %dma_wait3A_902 = tpu.memref_slice %arg4[%add3A_412, %dma_wait3A_900, %dma_wait3A_901] : memref<1024x24x128xf32, #tpu.memory_space<hbm>> -> memref<1x24x128xf32, #tpu.memory_space<hbm>>
    %dma_wait3A_903 = tpu.memref_squeeze %dma_wait3A_902 : memref<1x24x128xf32, #tpu.memory_space<hbm>> -> memref<24x128xf32, #tpu.memory_space<hbm>>
    %dma_wait3A_904 = arith.constant 400 : i32
    %dma_wait3A_905 = arith.constant 0 : i32
    %dma_wait3A_906 = tpu.memref_slice %arg6[%dma_wait3A_904, %dma_wait3A_905] : memref<644x128xf32, #tpu.memory_space<vmem>> -> memref<24x128xf32, #tpu.memory_space<vmem>>
    tpu.wait_dma2 semaphore(%arg12 : memref<!tpu.dma_semaphore, #tpu.memory_space<semaphore_mem>>) src(%dma_wait3A_906 : memref<24x128xf32, #tpu.memory_space<vmem>>) dst(%dma_wait3A_903 : memref<24x128xf32, #tpu.memory_space<hbm>>)
    %dma_wait3A_907 = arith.constant 420 : i32
    %dma_wait3A_908 = arith.constant 0 : i32
    %dma_wait3A_909 = tpu.memref_slice %arg6[%dma_wait3A_907, %dma_wait3A_908] : memref<644x128xf32, #tpu.memory_space<vmem>> -> memref<24x128xf32, #tpu.memory_space<vmem>>
    %dma_wait3A_910 = arith.constant 0 : i32
    %dma_wait3A_911 = arith.constant 0 : i32
    %dma_wait3A_912 = tpu.memref_slice %arg4[%add3A_428, %dma_wait3A_910, %dma_wait3A_911] : memref<1024x24x128xf32, #tpu.memory_space<hbm>> -> memref<1x24x128xf32, #tpu.memory_space<hbm>>
    %dma_wait3A_913 = tpu.memref_squeeze %dma_wait3A_912 : memref<1x24x128xf32, #tpu.memory_space<hbm>> -> memref<24x128xf32, #tpu.memory_space<hbm>>
    %dma_wait3A_914 = arith.constant 0 : i32
    %dma_wait3A_915 = arith.constant 0 : i32
    %dma_wait3A_916 = tpu.memref_slice %arg4[%add3A_428, %dma_wait3A_914, %dma_wait3A_915] : memref<1024x24x128xf32, #tpu.memory_space<hbm>> -> memref<1x24x128xf32, #tpu.memory_space<hbm>>
    %dma_wait3A_917 = tpu.memref_squeeze %dma_wait3A_916 : memref<1x24x128xf32, #tpu.memory_space<hbm>> -> memref<24x128xf32, #tpu.memory_space<hbm>>
    %dma_wait3A_918 = arith.constant 420 : i32
    %dma_wait3A_919 = arith.constant 0 : i32
    %dma_wait3A_920 = tpu.memref_slice %arg6[%dma_wait3A_918, %dma_wait3A_919] : memref<644x128xf32, #tpu.memory_space<vmem>> -> memref<24x128xf32, #tpu.memory_space<vmem>>
    tpu.wait_dma2 semaphore(%arg12 : memref<!tpu.dma_semaphore, #tpu.memory_space<semaphore_mem>>) src(%dma_wait3A_920 : memref<24x128xf32, #tpu.memory_space<vmem>>) dst(%dma_wait3A_917 : memref<24x128xf32, #tpu.memory_space<hbm>>)
    %dma_wait3A_921 = arith.constant 440 : i32
    %dma_wait3A_922 = arith.constant 0 : i32
    %dma_wait3A_923 = tpu.memref_slice %arg6[%dma_wait3A_921, %dma_wait3A_922] : memref<644x128xf32, #tpu.memory_space<vmem>> -> memref<24x128xf32, #tpu.memory_space<vmem>>
    %dma_wait3A_924 = arith.constant 0 : i32
    %dma_wait3A_925 = arith.constant 0 : i32
    %dma_wait3A_926 = tpu.memref_slice %arg4[%add3A_444, %dma_wait3A_924, %dma_wait3A_925] : memref<1024x24x128xf32, #tpu.memory_space<hbm>> -> memref<1x24x128xf32, #tpu.memory_space<hbm>>
    %dma_wait3A_927 = tpu.memref_squeeze %dma_wait3A_926 : memref<1x24x128xf32, #tpu.memory_space<hbm>> -> memref<24x128xf32, #tpu.memory_space<hbm>>
    %dma_wait3A_928 = arith.constant 0 : i32
    %dma_wait3A_929 = arith.constant 0 : i32
    %dma_wait3A_930 = tpu.memref_slice %arg4[%add3A_444, %dma_wait3A_928, %dma_wait3A_929] : memref<1024x24x128xf32, #tpu.memory_space<hbm>> -> memref<1x24x128xf32, #tpu.memory_space<hbm>>
    %dma_wait3A_931 = tpu.memref_squeeze %dma_wait3A_930 : memref<1x24x128xf32, #tpu.memory_space<hbm>> -> memref<24x128xf32, #tpu.memory_space<hbm>>
    %dma_wait3A_932 = arith.constant 440 : i32
    %dma_wait3A_933 = arith.constant 0 : i32
    %dma_wait3A_934 = tpu.memref_slice %arg6[%dma_wait3A_932, %dma_wait3A_933] : memref<644x128xf32, #tpu.memory_space<vmem>> -> memref<24x128xf32, #tpu.memory_space<vmem>>
    tpu.wait_dma2 semaphore(%arg12 : memref<!tpu.dma_semaphore, #tpu.memory_space<semaphore_mem>>) src(%dma_wait3A_934 : memref<24x128xf32, #tpu.memory_space<vmem>>) dst(%dma_wait3A_931 : memref<24x128xf32, #tpu.memory_space<hbm>>)
    %dma_wait3A_935 = arith.constant 460 : i32
    %dma_wait3A_936 = arith.constant 0 : i32
    %dma_wait3A_937 = tpu.memref_slice %arg6[%dma_wait3A_935, %dma_wait3A_936] : memref<644x128xf32, #tpu.memory_space<vmem>> -> memref<24x128xf32, #tpu.memory_space<vmem>>
    %dma_wait3A_938 = arith.constant 0 : i32
    %dma_wait3A_939 = arith.constant 0 : i32
    %dma_wait3A_940 = tpu.memref_slice %arg4[%add3A_460, %dma_wait3A_938, %dma_wait3A_939] : memref<1024x24x128xf32, #tpu.memory_space<hbm>> -> memref<1x24x128xf32, #tpu.memory_space<hbm>>
    %dma_wait3A_941 = tpu.memref_squeeze %dma_wait3A_940 : memref<1x24x128xf32, #tpu.memory_space<hbm>> -> memref<24x128xf32, #tpu.memory_space<hbm>>
    %dma_wait3A_942 = arith.constant 0 : i32
    %dma_wait3A_943 = arith.constant 0 : i32
    %dma_wait3A_944 = tpu.memref_slice %arg4[%add3A_460, %dma_wait3A_942, %dma_wait3A_943] : memref<1024x24x128xf32, #tpu.memory_space<hbm>> -> memref<1x24x128xf32, #tpu.memory_space<hbm>>
    %dma_wait3A_945 = tpu.memref_squeeze %dma_wait3A_944 : memref<1x24x128xf32, #tpu.memory_space<hbm>> -> memref<24x128xf32, #tpu.memory_space<hbm>>
    %dma_wait3A_946 = arith.constant 460 : i32
    %dma_wait3A_947 = arith.constant 0 : i32
    %dma_wait3A_948 = tpu.memref_slice %arg6[%dma_wait3A_946, %dma_wait3A_947] : memref<644x128xf32, #tpu.memory_space<vmem>> -> memref<24x128xf32, #tpu.memory_space<vmem>>
    tpu.wait_dma2 semaphore(%arg12 : memref<!tpu.dma_semaphore, #tpu.memory_space<semaphore_mem>>) src(%dma_wait3A_948 : memref<24x128xf32, #tpu.memory_space<vmem>>) dst(%dma_wait3A_945 : memref<24x128xf32, #tpu.memory_space<hbm>>)
    %dma_wait3A_949 = arith.constant 480 : i32
    %dma_wait3A_950 = arith.constant 0 : i32
    %dma_wait3A_951 = tpu.memref_slice %arg6[%dma_wait3A_949, %dma_wait3A_950] : memref<644x128xf32, #tpu.memory_space<vmem>> -> memref<24x128xf32, #tpu.memory_space<vmem>>
    %dma_wait3A_952 = arith.constant 0 : i32
    %dma_wait3A_953 = arith.constant 0 : i32
    %dma_wait3A_954 = tpu.memref_slice %arg4[%add3A_476, %dma_wait3A_952, %dma_wait3A_953] : memref<1024x24x128xf32, #tpu.memory_space<hbm>> -> memref<1x24x128xf32, #tpu.memory_space<hbm>>
    %dma_wait3A_955 = tpu.memref_squeeze %dma_wait3A_954 : memref<1x24x128xf32, #tpu.memory_space<hbm>> -> memref<24x128xf32, #tpu.memory_space<hbm>>
    %dma_wait3A_956 = arith.constant 0 : i32
    %dma_wait3A_957 = arith.constant 0 : i32
    %dma_wait3A_958 = tpu.memref_slice %arg4[%add3A_476, %dma_wait3A_956, %dma_wait3A_957] : memref<1024x24x128xf32, #tpu.memory_space<hbm>> -> memref<1x24x128xf32, #tpu.memory_space<hbm>>
    %dma_wait3A_959 = tpu.memref_squeeze %dma_wait3A_958 : memref<1x24x128xf32, #tpu.memory_space<hbm>> -> memref<24x128xf32, #tpu.memory_space<hbm>>
    %dma_wait3A_960 = arith.constant 480 : i32
    %dma_wait3A_961 = arith.constant 0 : i32
    %dma_wait3A_962 = tpu.memref_slice %arg6[%dma_wait3A_960, %dma_wait3A_961] : memref<644x128xf32, #tpu.memory_space<vmem>> -> memref<24x128xf32, #tpu.memory_space<vmem>>
    tpu.wait_dma2 semaphore(%arg12 : memref<!tpu.dma_semaphore, #tpu.memory_space<semaphore_mem>>) src(%dma_wait3A_962 : memref<24x128xf32, #tpu.memory_space<vmem>>) dst(%dma_wait3A_959 : memref<24x128xf32, #tpu.memory_space<hbm>>)
    %dma_wait3A_963 = arith.constant 500 : i32
    %dma_wait3A_964 = arith.constant 0 : i32
    %dma_wait3A_965 = tpu.memref_slice %arg6[%dma_wait3A_963, %dma_wait3A_964] : memref<644x128xf32, #tpu.memory_space<vmem>> -> memref<24x128xf32, #tpu.memory_space<vmem>>
    %dma_wait3A_966 = arith.constant 0 : i32
    %dma_wait3A_967 = arith.constant 0 : i32
    %dma_wait3A_968 = tpu.memref_slice %arg4[%add3A_502, %dma_wait3A_966, %dma_wait3A_967] : memref<1024x24x128xf32, #tpu.memory_space<hbm>> -> memref<1x24x128xf32, #tpu.memory_space<hbm>>
    %dma_wait3A_969 = tpu.memref_squeeze %dma_wait3A_968 : memref<1x24x128xf32, #tpu.memory_space<hbm>> -> memref<24x128xf32, #tpu.memory_space<hbm>>
    %dma_wait3A_970 = arith.constant 0 : i32
    %dma_wait3A_971 = arith.constant 0 : i32
    %dma_wait3A_972 = tpu.memref_slice %arg4[%add3A_502, %dma_wait3A_970, %dma_wait3A_971] : memref<1024x24x128xf32, #tpu.memory_space<hbm>> -> memref<1x24x128xf32, #tpu.memory_space<hbm>>
    %dma_wait3A_973 = tpu.memref_squeeze %dma_wait3A_972 : memref<1x24x128xf32, #tpu.memory_space<hbm>> -> memref<24x128xf32, #tpu.memory_space<hbm>>
    %dma_wait3A_974 = arith.constant 500 : i32
    %dma_wait3A_975 = arith.constant 0 : i32
    %dma_wait3A_976 = tpu.memref_slice %arg6[%dma_wait3A_974, %dma_wait3A_975] : memref<644x128xf32, #tpu.memory_space<vmem>> -> memref<24x128xf32, #tpu.memory_space<vmem>>
    tpu.wait_dma2 semaphore(%arg12 : memref<!tpu.dma_semaphore, #tpu.memory_space<semaphore_mem>>) src(%dma_wait3A_976 : memref<24x128xf32, #tpu.memory_space<vmem>>) dst(%dma_wait3A_973 : memref<24x128xf32, #tpu.memory_space<hbm>>)
    %dma_wait3A_977 = arith.constant 520 : i32
    %dma_wait3A_978 = arith.constant 0 : i32
    %dma_wait3A_979 = tpu.memref_slice %arg6[%dma_wait3A_977, %dma_wait3A_978] : memref<644x128xf32, #tpu.memory_space<vmem>> -> memref<24x128xf32, #tpu.memory_space<vmem>>
    %dma_wait3A_980 = arith.constant 0 : i32
    %dma_wait3A_981 = arith.constant 0 : i32
    %dma_wait3A_982 = tpu.memref_slice %arg4[%add3A_518, %dma_wait3A_980, %dma_wait3A_981] : memref<1024x24x128xf32, #tpu.memory_space<hbm>> -> memref<1x24x128xf32, #tpu.memory_space<hbm>>
    %dma_wait3A_983 = tpu.memref_squeeze %dma_wait3A_982 : memref<1x24x128xf32, #tpu.memory_space<hbm>> -> memref<24x128xf32, #tpu.memory_space<hbm>>
    %dma_wait3A_984 = arith.constant 0 : i32
    %dma_wait3A_985 = arith.constant 0 : i32
    %dma_wait3A_986 = tpu.memref_slice %arg4[%add3A_518, %dma_wait3A_984, %dma_wait3A_985] : memref<1024x24x128xf32, #tpu.memory_space<hbm>> -> memref<1x24x128xf32, #tpu.memory_space<hbm>>
    %dma_wait3A_987 = tpu.memref_squeeze %dma_wait3A_986 : memref<1x24x128xf32, #tpu.memory_space<hbm>> -> memref<24x128xf32, #tpu.memory_space<hbm>>
    %dma_wait3A_988 = arith.constant 520 : i32
    %dma_wait3A_989 = arith.constant 0 : i32
    %dma_wait3A_990 = tpu.memref_slice %arg6[%dma_wait3A_988, %dma_wait3A_989] : memref<644x128xf32, #tpu.memory_space<vmem>> -> memref<24x128xf32, #tpu.memory_space<vmem>>
    tpu.wait_dma2 semaphore(%arg12 : memref<!tpu.dma_semaphore, #tpu.memory_space<semaphore_mem>>) src(%dma_wait3A_990 : memref<24x128xf32, #tpu.memory_space<vmem>>) dst(%dma_wait3A_987 : memref<24x128xf32, #tpu.memory_space<hbm>>)
    %dma_wait3A_991 = arith.constant 540 : i32
    %dma_wait3A_992 = arith.constant 0 : i32
    %dma_wait3A_993 = tpu.memref_slice %arg6[%dma_wait3A_991, %dma_wait3A_992] : memref<644x128xf32, #tpu.memory_space<vmem>> -> memref<24x128xf32, #tpu.memory_space<vmem>>
    %dma_wait3A_994 = arith.constant 0 : i32
    %dma_wait3A_995 = arith.constant 0 : i32
    %dma_wait3A_996 = tpu.memref_slice %arg4[%add3A_534, %dma_wait3A_994, %dma_wait3A_995] : memref<1024x24x128xf32, #tpu.memory_space<hbm>> -> memref<1x24x128xf32, #tpu.memory_space<hbm>>
    %dma_wait3A_997 = tpu.memref_squeeze %dma_wait3A_996 : memref<1x24x128xf32, #tpu.memory_space<hbm>> -> memref<24x128xf32, #tpu.memory_space<hbm>>
    %dma_wait3A_998 = arith.constant 0 : i32
    %dma_wait3A_999 = arith.constant 0 : i32
    %dma_wait3A_1000 = tpu.memref_slice %arg4[%add3A_534, %dma_wait3A_998, %dma_wait3A_999] : memref<1024x24x128xf32, #tpu.memory_space<hbm>> -> memref<1x24x128xf32, #tpu.memory_space<hbm>>
    %dma_wait3A_1001 = tpu.memref_squeeze %dma_wait3A_1000 : memref<1x24x128xf32, #tpu.memory_space<hbm>> -> memref<24x128xf32, #tpu.memory_space<hbm>>
    %dma_wait3A_1002 = arith.constant 540 : i32
    %dma_wait3A_1003 = arith.constant 0 : i32
    %dma_wait3A_1004 = tpu.memref_slice %arg6[%dma_wait3A_1002, %dma_wait3A_1003] : memref<644x128xf32, #tpu.memory_space<vmem>> -> memref<24x128xf32, #tpu.memory_space<vmem>>
    tpu.wait_dma2 semaphore(%arg12 : memref<!tpu.dma_semaphore, #tpu.memory_space<semaphore_mem>>) src(%dma_wait3A_1004 : memref<24x128xf32, #tpu.memory_space<vmem>>) dst(%dma_wait3A_1001 : memref<24x128xf32, #tpu.memory_space<hbm>>)
    %dma_wait3A_1005 = arith.constant 560 : i32
    %dma_wait3A_1006 = arith.constant 0 : i32
    %dma_wait3A_1007 = tpu.memref_slice %arg6[%dma_wait3A_1005, %dma_wait3A_1006] : memref<644x128xf32, #tpu.memory_space<vmem>> -> memref<24x128xf32, #tpu.memory_space<vmem>>
    %dma_wait3A_1008 = arith.constant 0 : i32
    %dma_wait3A_1009 = arith.constant 0 : i32
    %dma_wait3A_1010 = tpu.memref_slice %arg4[%add3A_550, %dma_wait3A_1008, %dma_wait3A_1009] : memref<1024x24x128xf32, #tpu.memory_space<hbm>> -> memref<1x24x128xf32, #tpu.memory_space<hbm>>
    %dma_wait3A_1011 = tpu.memref_squeeze %dma_wait3A_1010 : memref<1x24x128xf32, #tpu.memory_space<hbm>> -> memref<24x128xf32, #tpu.memory_space<hbm>>
    %dma_wait3A_1012 = arith.constant 0 : i32
    %dma_wait3A_1013 = arith.constant 0 : i32
    %dma_wait3A_1014 = tpu.memref_slice %arg4[%add3A_550, %dma_wait3A_1012, %dma_wait3A_1013] : memref<1024x24x128xf32, #tpu.memory_space<hbm>> -> memref<1x24x128xf32, #tpu.memory_space<hbm>>
    %dma_wait3A_1015 = tpu.memref_squeeze %dma_wait3A_1014 : memref<1x24x128xf32, #tpu.memory_space<hbm>> -> memref<24x128xf32, #tpu.memory_space<hbm>>
    %dma_wait3A_1016 = arith.constant 560 : i32
    %dma_wait3A_1017 = arith.constant 0 : i32
    %dma_wait3A_1018 = tpu.memref_slice %arg6[%dma_wait3A_1016, %dma_wait3A_1017] : memref<644x128xf32, #tpu.memory_space<vmem>> -> memref<24x128xf32, #tpu.memory_space<vmem>>
    tpu.wait_dma2 semaphore(%arg12 : memref<!tpu.dma_semaphore, #tpu.memory_space<semaphore_mem>>) src(%dma_wait3A_1018 : memref<24x128xf32, #tpu.memory_space<vmem>>) dst(%dma_wait3A_1015 : memref<24x128xf32, #tpu.memory_space<hbm>>)
    %dma_wait3A_1019 = arith.constant 580 : i32
    %dma_wait3A_1020 = arith.constant 0 : i32
    %dma_wait3A_1021 = tpu.memref_slice %arg6[%dma_wait3A_1019, %dma_wait3A_1020] : memref<644x128xf32, #tpu.memory_space<vmem>> -> memref<24x128xf32, #tpu.memory_space<vmem>>
    %dma_wait3A_1022 = arith.constant 0 : i32
    %dma_wait3A_1023 = arith.constant 0 : i32
    %dma_wait3A_1024 = tpu.memref_slice %arg4[%add3A_566, %dma_wait3A_1022, %dma_wait3A_1023] : memref<1024x24x128xf32, #tpu.memory_space<hbm>> -> memref<1x24x128xf32, #tpu.memory_space<hbm>>
    %dma_wait3A_1025 = tpu.memref_squeeze %dma_wait3A_1024 : memref<1x24x128xf32, #tpu.memory_space<hbm>> -> memref<24x128xf32, #tpu.memory_space<hbm>>
    %dma_wait3A_1026 = arith.constant 0 : i32
    %dma_wait3A_1027 = arith.constant 0 : i32
    %dma_wait3A_1028 = tpu.memref_slice %arg4[%add3A_566, %dma_wait3A_1026, %dma_wait3A_1027] : memref<1024x24x128xf32, #tpu.memory_space<hbm>> -> memref<1x24x128xf32, #tpu.memory_space<hbm>>
    %dma_wait3A_1029 = tpu.memref_squeeze %dma_wait3A_1028 : memref<1x24x128xf32, #tpu.memory_space<hbm>> -> memref<24x128xf32, #tpu.memory_space<hbm>>
    %dma_wait3A_1030 = arith.constant 580 : i32
    %dma_wait3A_1031 = arith.constant 0 : i32
    %dma_wait3A_1032 = tpu.memref_slice %arg6[%dma_wait3A_1030, %dma_wait3A_1031] : memref<644x128xf32, #tpu.memory_space<vmem>> -> memref<24x128xf32, #tpu.memory_space<vmem>>
    tpu.wait_dma2 semaphore(%arg12 : memref<!tpu.dma_semaphore, #tpu.memory_space<semaphore_mem>>) src(%dma_wait3A_1032 : memref<24x128xf32, #tpu.memory_space<vmem>>) dst(%dma_wait3A_1029 : memref<24x128xf32, #tpu.memory_space<hbm>>)
    %dma_wait3A_1033 = arith.constant 600 : i32
    %dma_wait3A_1034 = arith.constant 0 : i32
    %dma_wait3A_1035 = tpu.memref_slice %arg6[%dma_wait3A_1033, %dma_wait3A_1034] : memref<644x128xf32, #tpu.memory_space<vmem>> -> memref<24x128xf32, #tpu.memory_space<vmem>>
    %dma_wait3A_1036 = arith.constant 0 : i32
    %dma_wait3A_1037 = arith.constant 0 : i32
    %dma_wait3A_1038 = tpu.memref_slice %arg4[%add3A_582, %dma_wait3A_1036, %dma_wait3A_1037] : memref<1024x24x128xf32, #tpu.memory_space<hbm>> -> memref<1x24x128xf32, #tpu.memory_space<hbm>>
    %dma_wait3A_1039 = tpu.memref_squeeze %dma_wait3A_1038 : memref<1x24x128xf32, #tpu.memory_space<hbm>> -> memref<24x128xf32, #tpu.memory_space<hbm>>
    %dma_wait3A_1040 = arith.constant 0 : i32
    %dma_wait3A_1041 = arith.constant 0 : i32
    %dma_wait3A_1042 = tpu.memref_slice %arg4[%add3A_582, %dma_wait3A_1040, %dma_wait3A_1041] : memref<1024x24x128xf32, #tpu.memory_space<hbm>> -> memref<1x24x128xf32, #tpu.memory_space<hbm>>
    %dma_wait3A_1043 = tpu.memref_squeeze %dma_wait3A_1042 : memref<1x24x128xf32, #tpu.memory_space<hbm>> -> memref<24x128xf32, #tpu.memory_space<hbm>>
    %dma_wait3A_1044 = arith.constant 600 : i32
    %dma_wait3A_1045 = arith.constant 0 : i32
    %dma_wait3A_1046 = tpu.memref_slice %arg6[%dma_wait3A_1044, %dma_wait3A_1045] : memref<644x128xf32, #tpu.memory_space<vmem>> -> memref<24x128xf32, #tpu.memory_space<vmem>>
    tpu.wait_dma2 semaphore(%arg12 : memref<!tpu.dma_semaphore, #tpu.memory_space<semaphore_mem>>) src(%dma_wait3A_1046 : memref<24x128xf32, #tpu.memory_space<vmem>>) dst(%dma_wait3A_1043 : memref<24x128xf32, #tpu.memory_space<hbm>>)
    %dma_wait3A_1047 = arith.constant 620 : i32
    %dma_wait3A_1048 = arith.constant 0 : i32
    %dma_wait3A_1049 = tpu.memref_slice %arg6[%dma_wait3A_1047, %dma_wait3A_1048] : memref<644x128xf32, #tpu.memory_space<vmem>> -> memref<24x128xf32, #tpu.memory_space<vmem>>
    %dma_wait3A_1050 = arith.constant 0 : i32
    %dma_wait3A_1051 = arith.constant 0 : i32
    %dma_wait3A_1052 = tpu.memref_slice %arg4[%add3A_598, %dma_wait3A_1050, %dma_wait3A_1051] : memref<1024x24x128xf32, #tpu.memory_space<hbm>> -> memref<1x24x128xf32, #tpu.memory_space<hbm>>
    %dma_wait3A_1053 = tpu.memref_squeeze %dma_wait3A_1052 : memref<1x24x128xf32, #tpu.memory_space<hbm>> -> memref<24x128xf32, #tpu.memory_space<hbm>>
    %dma_wait3A_1054 = arith.constant 0 : i32
    %dma_wait3A_1055 = arith.constant 0 : i32
    %dma_wait3A_1056 = tpu.memref_slice %arg4[%add3A_598, %dma_wait3A_1054, %dma_wait3A_1055] : memref<1024x24x128xf32, #tpu.memory_space<hbm>> -> memref<1x24x128xf32, #tpu.memory_space<hbm>>
    %dma_wait3A_1057 = tpu.memref_squeeze %dma_wait3A_1056 : memref<1x24x128xf32, #tpu.memory_space<hbm>> -> memref<24x128xf32, #tpu.memory_space<hbm>>
    %dma_wait3A_1058 = arith.constant 620 : i32
    %dma_wait3A_1059 = arith.constant 0 : i32
    %dma_wait3A_1060 = tpu.memref_slice %arg6[%dma_wait3A_1058, %dma_wait3A_1059] : memref<644x128xf32, #tpu.memory_space<vmem>> -> memref<24x128xf32, #tpu.memory_space<vmem>>
    tpu.wait_dma2 semaphore(%arg12 : memref<!tpu.dma_semaphore, #tpu.memory_space<semaphore_mem>>) src(%dma_wait3A_1060 : memref<24x128xf32, #tpu.memory_space<vmem>>) dst(%dma_wait3A_1057 : memref<24x128xf32, #tpu.memory_space<hbm>>)
    return
  }
}

module attributes {stable_mosaic.version = 14 : i64} {
  func.func @_matmul_body(%arg0: i32, %arg1: memref<1000x4096xf32, #tpu.memory_space<vmem>>, %arg2: memref<4096x128xf32, #tpu.memory_space<vmem>>, %arg3: memref<1x128xf32, #tpu.memory_space<vmem>>, %arg4: memref<1000x128xf32, #tpu.memory_space<vmem>>) attributes {dimension_semantics = [#tpu.dimension_semantics<arbitrary>], iteration_bounds = array<i64: 10>, scalar_prefetch = 0 : i64, scratch_operands = 0 : i64, tpu.core_type = #tpu.core_type<tc>, window_params = [{transform_indices = @transform_0, window_bounds = array<i64: 1000, 4096>}, {pipeline_mode = #tpu.pipeline_mode<synchronous>, transform_indices = @transform_1, window_bounds = array<i64: 4096, 128>}, {pipeline_mode = #tpu.pipeline_mode<synchronous>, transform_indices = @transform_2, window_bounds = array<i64: 1, 128>}, {transform_indices = @transform_3, window_bounds = array<i64: 1000, 128>}]} {
    %get3A = arith.constant 0 : index
    %get3A_0 = arith.constant 0 : index
    %get3A_1 = vector.load %arg1[%get3A, %get3A_0] : memref<1000x4096xf32, #tpu.memory_space<vmem>>, vector<1000x4096xf32>
    %get3A_2 = arith.constant 0 : index
    %get3A_3 = arith.constant 0 : index
    %get3A_4 = vector.load %arg2[%get3A_2, %get3A_3] : memref<4096x128xf32, #tpu.memory_space<vmem>>, vector<4096x128xf32>
    %dot_general3A = arith.constant dense<0.000000e+00> : vector<1000x128xf32>
    %dot_general3A_5 = tpu.matmul %get3A_1, %get3A_4, %dot_general3A {dimension_numbers = #tpu.dot_dimension_numbers<[1], [0], [0], [1], [0, 0, 1, 1], [], []>, transpose_lhs_hint = false} : vector<1000x4096xf32>, vector<4096x128xf32>, vector<1000x128xf32> -> vector<1000x128xf32>
    %get3A_6 = arith.constant 0 : index
    %get3A_7 = arith.constant 0 : index
    %get3A_8 = vector.load %arg3[%get3A_6, %get3A_7] : memref<1x128xf32, #tpu.memory_space<vmem>>, vector<1x128xf32>
    %add3A = vector.broadcast %get3A_8 : vector<1x128xf32> to vector<1000x128xf32>
    %add3A_9 = arith.addf %dot_general3A_5, %add3A : vector<1000x128xf32>
    %swap3A = arith.constant 0 : index
    %swap3A_10 = arith.constant 0 : index
    %swap3A_11 = vector.load %arg4[%swap3A, %swap3A_10] : memref<1000x128xf32, #tpu.memory_space<vmem>>, vector<1000x128xf32>
    tpu.vector_store %arg4[%swap3A, %swap3A_10], %add3A_9 {strides = array<i32>} : memref<1000x128xf32, #tpu.memory_space<vmem>>, vector<1000x128xf32>,
    return
  }
  func.func @transform_0(%arg0: i32) -> (i32, i32) {
    %c0_i32 = arith.constant 0 : i32
    %c0_i32_0 = arith.constant 0 : i32
    return %arg0, %c0_i32 : i32, i32
  }
  func.func @transform_1(%arg0: i32) -> (i32, i32) {
    %c0_i32 = arith.constant 0 : i32
    %c0_i32_0 = arith.constant 0 : i32
    %c0_i32_1 = arith.constant 0 : i32
    return %c0_i32, %c0_i32_0 : i32, i32
  }
  func.func @transform_2(%arg0: i32) -> (i32, i32) {
    %c0_i32 = arith.constant 0 : i32
    %c0_i32_0 = arith.constant 0 : i32
    %c0_i32_1 = arith.constant 0 : i32
    return %c0_i32, %c0_i32_0 : i32, i32
  }
  func.func @transform_3(%arg0: i32) -> (i32, i32) {
    %c0_i32 = arith.constant 0 : i32
    %c0_i32_0 = arith.constant 0 : i32
    return %arg0, %c0_i32 : i32, i32
  }
}

</mosaic_0001>

<sc_bundles>
// kernel: kernel.4.cloned.1.call-start
scs
__scs_entry_jumppad:
0x0: {  	(pc) =	sbr.rel $0x88, $3  }
0x1: {  	(tag) =	ssettag $0x0;
	lr =	simm.s32 $0x1  }
0x2: {  	[smem:$0x3F9D] =	sst lr;
	_ =	strace $0xD0000000  }
0x3: {  	_ = 	snop  }
0x4: {  	_ = 	snop  }
0x5: {  	_ = 	snop  }
0x6: {  	_ = 	snop  }
0x7: {  	_ = 	snop  }
__scs_overlays_trampoline_lowered:
0x8: {  	[smem:$0x3FAC] =	sst s0  }
0x9: {  	[smem:$0x3FAD] =	sst s1  }
0xa: {  	[smem:$0x3FAE] =	sst s2  }
0xb: {  	[smem:$0x3FAF] =	sst s3  }
0xc: {  	[smem:$0x3FB0] =	sst s4  }
0xd: {  	[smem:$0x3FB1] =	sst s5  }
0xe: {  	[smem:$0x3FB2] =	sst s6  }
0xf: {  	[smem:$0x3FB3] =	sst s7  }
0x10: {  	[smem:$0x3FB4] =	sst s8  }
0x11: {  	[smem:$0x3FB5] =	sst s9;
	s0 =	simm.s32 @!p0 $0x0  }
0x12: {  	s1 =	sld [smem:$0x3F9B];
	s0 =	simm.s32 @p0 $0x1  }
0x13: {  	[smem:$0x3FB6] =	sst s0;
	s0 =	simm.s32 @!p1 $0x0  }
0x14: {  	s2 =	sld [smem:$0x3F9A];
	s0 =	simm.s32 @p1 $0x1  }
0x15: {  	[smem:$0x3FB7] =	sst s0;
	s0 =	simm.s32 @!p2 $0x0  }
0x16: {  	s3 =	sld [smem:$0x3FDB];
	s0 =	simm.s32 @p2 $0x1  }
0x17: {  	s4 =	simm.s32 $0x1BF5;
	[smem:$0x3FB9] =	sst s0  }
0x18: {  	s0 =	sld [smem:$0x3F9C];
	_ =	swait.ge [sflag:s4], $0x0  }
0x19: {  	s7 =	sld [smem:$0x3F9D]  }
0x1a: {  	s8 =	sadd.s32 $0xFFFFE003, lr  }
0x1b: {  	s9 =	sadd.s32 $0xFFFFFEF7, lr;
	s5 =	simm.s32 $0xFFFFFFFF;
	p2 =	slt.u32 s8, $0xFFFFF086  }
0x1c: {  	p1 =	slt.u32 s9, $0xF7A;
	s5 =	simm.s32 @!p2 $0x0  }
0x1d: {  	s5 =	simm.s32 @p1 $0x1;
	p0 =	seq.s32 s7, s2  }
0x1e: {  	s7 =	smul.u32 @!p0 $0xF7A, s2;
	p2 =	seq.s32 @!p0 s5, $0x0  }
0x1f: {  	s9 =	smul.u32 $0xF7A, s1;
	s8 =	simm.s32 @!p0 $0x1BF5;
	p2 =	por !p2, p0  }
0x20: {  	[sflag:s8] =	ssyncset.s32 @!p0 $0xFFFFF086;
	s6 =	sadd.s32 @!p0 s3, s7;
	s7 =	simm.s32 @!p0 $0x108  }
0x21: {  	s3 =	sadd.s32 s3, s9;
	s6 =	sadd.s32 @!p0 $0x88, s6;
	s7 =	simm.s32 @p2 $0x1082  }
0x22: {  	[simem:s7], [sflag:s8] =	dma.local @!p0 [hbm:s6], $0xF7A  }
0x23: {  	s9 =	sor.u32 $0xD0000000, s2;
	s6 =	simm.s32 $0x108;
	_ =	swait.ge @!p0 [sflag:s8], $0x0  }
0x24: {  	s3 =	sadd.s32 $0x88, s3;
	s6 =	simm.s32 @!p1 $0x1082;
	[sflag:s4] =	ssyncset.s32 $0xFFFFF086  }
0x25: {  	[simem:s6], [sflag:s4] =	dma.local [hbm:s3], $0xF7A  }
0x26: {  	[smem:$0x3F9D] =	sst s1;
	(tag) =	ssettag s2;
	_ =	strace s9  }
0x27: {  	s1 =	sld [smem:$0x3FAD]  }
0x28: {  	s2 =	sld [smem:$0x3FAE]  }
0x29: {  	s4 =	sld [smem:$0x3FB0]  }
0x2a: {  	p0 =	seq.s32 s5, $0x0;
	s5 =	sld [smem:$0x3FB1]  }
0x2b: {  	s6 =	sld [smem:$0x3FB2]  }
0x2c: {  	s7 =	sld [smem:$0x3FB3]  }
0x2d: {  	s3 =	simm.s32 $0x108;
	s8 =	sld [smem:$0x3FB4]  }
0x2e: {  	s3 =	simm.s32 @!p0 $0x1082;
	s9 =	sld [smem:$0x3FB5]  }
0x2f: {  	lr =	sadd.s32 s0, s3;
	s0 =	sld [smem:$0x3FAC]  }
0x30: {  	s3 =	sld [smem:$0x3FAF]  }
0x31: {  	[smem:$0x3FB8] =	sst s10  }
0x32: {  	s10 =	sld [smem:$0x3FB6];
	_ =	sdelay $0x3  }
0x33: {  	p0 =	seq.s32 s10, $0x1;
	s10 =	sld [smem:$0x3FB8];
	_ =	sdelay $0x3  }
0x34: {  	[smem:$0x3FB8] =	sst s10  }
0x35: {  	s10 =	sld [smem:$0x3FB7];
	_ =	sdelay $0x3  }
0x36: {  	p1 =	seq.s32 s10, $0x1;
	s10 =	sld [smem:$0x3FB8];
	_ =	sdelay $0x3  }
0x37: {  	[smem:$0x3FB8] =	sst s10  }
0x38: {  	s10 =	sld [smem:$0x3FB9]  }
0x39: {  	_ = 	snop;
	(pc) =	sbr.ind lr, $3  }
0x3a: {  	_ = 	snop  }
0x3b: {  	_ = 	snop  }
0x3c: {  	p2 =	seq.s32 s10, $0x1;
	s10 =	sld [smem:$0x3FB8]  }
0x3d: {  	_ =	shalt  }
0x3e: {  	_ =	shalt  }
0x3f: {  	_ =	shalt  }
0x40: {  	_ =	shalt  }
0x41: {  	_ =	shalt  }
0x42: {  	_ =	shalt  }
0x43: {  	_ =	shalt  }
0x44: {  	_ =	shalt  }
0x45: {  	_ =	shalt  }
0x46: {  	_ =	shalt  }
0x47: {  	_ =	shalt  }
0x48: {  	_ =	shalt  }
0x49: {  	_ =	shalt  }
0x4a: {  	_ =	shalt  }
0x4b: {  	_ =	shalt  }
0x4c: {  	_ =	shalt  }
0x4d: {  	_ =	shalt  }
0x4e: {  	_ =	shalt  }
0x4f: {  	_ =	shalt  }
0x50: {  	_ =	shalt  }
0x51: {  	_ =	shalt  }
0x52: {  	_ =	shalt  }
0x53: {  	_ =	shalt  }
0x54: {  	_ =	shalt  }
0x55: {  	_ =	shalt  }
0x56: {  	_ =	shalt  }
0x57: {  	_ =	shalt  }
0x58: {  	_ =	shalt  }
0x59: {  	_ =	shalt  }
0x5a: {  	_ =	shalt  }
0x5b: {  	_ =	shalt  }
0x5c: {  	_ =	shalt  }
0x5d: {  	_ =	shalt  }
0x5e: {  	_ =	shalt  }
0x5f: {  	_ =	shalt  }
0x60: {  	_ =	shalt  }
0x61: {  	_ =	shalt  }
0x62: {  	_ =	shalt  }
0x63: {  	_ =	shalt  }
0x64: {  	_ =	shalt  }
0x65: {  	_ =	shalt  }
0x66: {  	_ =	shalt  }
0x67: {  	_ =	shalt  }
0x68: {  	_ =	shalt  }
0x69: {  	_ =	shalt  }
0x6a: {  	_ =	shalt  }
0x6b: {  	_ =	shalt  }
0x6c: {  	_ =	shalt  }
0x6d: {  	_ =	shalt  }
0x6e: {  	_ =	shalt  }
0x6f: {  	_ =	shalt  }
0x70: {  	_ =	shalt  }
0x71: {  	_ =	shalt  }
0x72: {  	_ =	shalt  }
0x73: {  	_ =	shalt  }
0x74: {  	_ =	shalt  }
0x75: {  	_ =	shalt  }
0x76: {  	_ =	shalt  }
0x77: {  	_ =	shalt  }
0x78: {  	_ =	shalt  }
0x79: {  	_ =	shalt  }
0x7a: {  	_ =	shalt  }
0x7b: {  	_ =	shalt  }
0x7c: {  	_ =	shalt  }
0x7d: {  	_ =	shalt  }
0x7e: {  	_ =	shalt  }
0x7f: {  	_ =	shalt  }
0x80: {  	_ =	shalt  }
0x81: {  	_ =	shalt  }
0x82: {  	_ =	shalt  }
0x83: {  	_ =	shalt  }
0x84: {  	_ =	shalt  }
0x85: {  	_ =	shalt  }
0x86: {  	_ =	shalt  }
0x87: {  	_ =	shalt  }
.Lfunc_end0:
.L_simem_size_0:
called_computation_lowered:
.L_overlay_start_0:
0x88: {  	s2 =	sld [smem:$0x3FD9]  }
0x89: {  	s3 =	sld [smem:$0x3FFE];
	_ =	sdelay $0x1  }
0x8a: {  	s1 =	srdreg.scid  }
0x8b: {  	s0 =	sand.u32 $0x1, s1  }
0x8c: {  	s17 =	sshll.u32 s0, $0xA;
	s2 =	sadd.s32 s3, s2  }
0x8d: {  	s2 =	sadd.s32 s2, s17  }
0x8e: {  	[smem:$0x3FC4] =	sst s2  }
0x8f: {  	_ = 	snop  }
0x90: {  	s2 =	sld [smem:$0x3FD0];
	(tm) =	ssettm $0x1  }
0x91: {  	s18 =	sld [smem:$0x3FFB];
	_ =	sdelay $0x3  }
0x92: {  	_ =	strace s18  }
0x93: {  	s3 =	sld [smem:$0x3FFC];
	_ =	sdelay $0x3  }
0x94: {  	_ =	strace s3  }
0x95: {  	s3 =	sld [smem:$0x3FFD];
	_ =	sdelay $0x3  }
0x96: {  	_ =	strace s3  }
0x97: {  	_ =	strace $0x8FFFFFFF  }
0x98: {  	s19 =	sld [smem:$0x3FDB];
	_ =	sdelay $0x1  }
0x99: {  	s4 =	simm.s32 $_scs_section_size  }
0x9a: {  	s5 =	simm.s32 $_size__tile_overlayer_lowered;
	s6 =	simm.s32 $_tile_overlayer_lowered  }
0x9b: {  	s22 =	simm.s32 $0x1BFF;
	s21 =	sshll.u32 s6, $0x1;
	s3 =	sadd.s32 s4, s19  }
0x9c: {  	s7 =	simm.s32 $0x0;
	s20 =	sshll.u32 s5, $0x1;
	s5 =	sadd.s32 s21, s3  }
0x9d: {  	[timem:s7], [sflag:s22] =	dma.local [hbm:s5], s20  }
0x9e: {  	_ =	swait.ge [sflag:s22], s20  }
0x9f: {  	s4 =	ssub.s32 $0x0, s20;
	[sflag:s22] =	ssyncset.done $0x0  }
0xa0: {  	[sflag:s22] =	ssyncadd.s32 s4;
	_ =	sdelay $0x1  }
0xa1: {  	s23 =	simm.s32 $0x1B8B  }
0xa2: {  	_ =	swait.ge [sflag:s23], $0x1  }
0xa3: {  	[sflag:s23] =	ssyncset.done $0x0  }
0xa4: {  	s25 =	simm.s32 $0x1B8E;
	s24 =	sld [smem:$0x3FFE];
	[sflag:s23] =	ssyncadd.s32 $0xFFFFFFFF  }
0xa5: {  	s26 =	simm.s32 $execute0_lowered;
	[smem:$0x3FD2] =	sst s25  }
0xa6: {  	s5 =	sshll.u32 s26, $0x1;
	_ =	strace $0x80000046;
	[dreg:$0x1] =	wrdreg $0xFFFFFFFF  }
0xa7: {  	s28 =	simm.s32 $_size_execute0_lowered;
	s3 =	sadd.s32 s3, s5;
	[dreg:$0x0] =	wrdreg $0x0  }
0xa8: {  	s5 =	sshll.u32 s28, $0x1;
	[dreg:$0x2] =	wrdreg s3  }
0xa9: {  	[dreg:$0x3] =	wrdreg s5  }
0xaa: {  	[dreg:$0x4] =	wrdreg $0xC0  }
0xab: {  	_ =	task [dreg:s7], $0x5FFFF  }
0xac: {  	[dreg:$0x1] =	wrdreg $0xFFFFFFFF  }
0xad: {  	[dreg:$0x0] =	wrdreg $0x60  }
0xae: {  	[dreg:$0x2] =	wrdreg s24  }
0xaf: {  	[dreg:$0x3] =	wrdreg s2  }
0xb0: {  	[dreg:$0x4] =	wrdreg $0x9  }
0xb1: {  	_ =	task.clear_ibuf [dreg:s7], $0x5FFFF;
	_ =	strace $0x90000046  }
0xb2: {  	s29 =	simm.s32 $0x9;
	_ =	strace $0x80000048  }
0xb3: {  	_ =	swait.ge [sflag:s29], $0x1  }
0xb4: {  	[sflag:s29] =	ssyncadd.s32 $0xFFFFFFFF  }
0xb5: {  	_ =	strace $0x90000048  }
0xb6: {  	_ =	sfence  }
0xb7: {  	s30 =	sld [smem:$0x0];
	_ =	sdelay $0x2  }
0xb8: {  	s31 =	sshll.u32 s1, $0xD;
	s1 =	sshrl.u32 s1, $0x2  }
0xb9: {  	s3 =	sand.u32 $0x4000, s31;
	s1 =	sadd.s32 s1, s30  }
0xba: {  	s0 =	sor.u32 s3, s0;
	s1 =	sshll.u32 s1, $0x11  }
0xbb: {  	s0 =	sor.u32 s1, s0  }
0xbc: {  	s0 =	sadd.s32 $0x8F2B, s0  }
0xbd: {  	[sflag:s0] =	ssyncadd.remote.s32 $0x1  }
0xbe: {  	_ =	sfence.sel $0xFFFF  }
0xbf: {  	[dreg:$0x0] =	wrdreg $0xFFFFFFFF;
	(pc) =	sbr.abs _section_cstart, $3  }
0xc0: {  	[dreg:$0x1] =	wrdreg $0xFFFFFFFF  }
0xc1: {  	_ =	task.clear_ibuf [dreg:s7], $0x2FFFF;
	_ =	strace $0x9FFFFFFF  }
0xc2: {  	(tm) =	ssettm $0x7FFFFFFF  }
0xc3: {  	_ =	shalt  }
tec
execute0_lowered:
.L_overlay_start_1:
0x0: {  	(tag) =	ssettag $0x1  }
0x1: {  	s1 =	srdreg.scid;
	s0 =	stileid.u32  }
0x2: {  	s1 =	sand.u32 $0x1, s1;
	s2 =	sshll.u32 s0, $0x1  }
0x3: {  	s5 =	rddreg [dreg:$0x0];
	s4 =	sor.u32 s1, s2  }
0x4: {  	s3 =	rddreg [dreg:$0x1];
	s6 =	smul.u32 $0x3000, s4  }
0x5: {  	s7 =	sadd.s32 $0x27600, s5;
	s2 =	simm.s32 $0x0;
	s8 =	sshll.u32 s4, $0x7  }
0x6: {  	[smem:$0x7FF] =	sst s2;
	s8 =	sadd.s32 s3, s8;
	s3 =	sadd.s32 s7, s6  }
0x7: {  	_ =	strace $0x80000047;
	[dreg:$0x3] =	wrdreg s8;
	s6 =	sadd.s32 $0x180, s3  }
0x8: {  	s12 =	sadd.s32 $0x300, s3;
	[dreg:$0x4] =	wrdreg s6  }
0x9: {  	s13 =	sadd.s32 $0x480, s3;
	[dreg:$0x5] =	wrdreg s12  }
0xa: {  	s14 =	sadd.s32 $0x600, s3;
	[dreg:$0x6] =	wrdreg s13  }
0xb: {  	s15 =	sadd.s32 $0x780, s3;
	[dreg:$0x7] =	wrdreg s14  }
0xc: {  	s16 =	sadd.s32 $0x900, s3;
	[dreg:$0x8] =	wrdreg s15  }
0xd: {  	s4 =	smul.u32 $0x18000, s4;
	s17 =	sadd.s32 $0xA80, s3;
	[dreg:$0x9] =	wrdreg s16  }
0xe: {  	s18 =	sadd.s32 $0xC00, s3;
	[dreg:$0xa] =	wrdreg s17  }
0xf: {  	s4 =	sshrl.u32 s4, $0x3;
	s19 =	sadd.s32 $0xD80, s3;
	[dreg:$0xb] =	wrdreg s18  }
0x10: {  	s20 =	sadd.s32 $0xF00, s3;
	s4 =	sadd.s32 s7, s4;
	[dreg:$0xc] =	wrdreg s19  }
0x11: {  	[dreg:$0xd] =	wrdreg s20;
	s21 =	sadd.s32 $0x1080, s4  }
0x12: {  	s22 =	sadd.s32 $0x1200, s4;
	[dreg:$0xe] =	wrdreg s21  }
0x13: {  	s23 =	sadd.s32 $0x1380, s4;
	[dreg:$0xf] =	wrdreg s22  }
0x14: {  	s24 =	sadd.s32 $0x1500, s4;
	[dreg:$0x10] =	wrdreg s23  }
0x15: {  	s25 =	sadd.s32 $0x1680, s4;
	[dreg:$0x11] =	wrdreg s24  }
0x16: {  	s26 =	sadd.s32 $0x1800, s4;
	[dreg:$0x12] =	wrdreg s25  }
0x17: {  	s0 =	sadd.s32 $0x1980, s4;
	[dreg:$0x13] =	wrdreg s26  }
0x18: {  	s7 =	sadd.s32 $0x1B00, s4;
	[dreg:$0x14] =	wrdreg s0  }
0x19: {  	s8 =	sadd.s32 $0x1C80, s4;
	[dreg:$0x15] =	wrdreg s7  }
0x1a: {  	s9 =	sadd.s32 $0x1E00, s4;
	[dreg:$0x16] =	wrdreg s8  }
0x1b: {  	s10 =	sadd.s32 $0x1F80, s4;
	[dreg:$0x17] =	wrdreg s9  }
0x1c: {  	s11 =	sadd.s32 $0x2100, s4;
	[dreg:$0x18] =	wrdreg s10  }
0x1d: {  	s12 =	sadd.s32 $0x2280, s4;
	[dreg:$0x19] =	wrdreg s11  }
0x1e: {  	s13 =	sadd.s32 $0x2400, s4;
	[dreg:$0x1a] =	wrdreg s12  }
0x1f: {  	s14 =	sadd.s32 $0x2580, s4;
	[dreg:$0x1b] =	wrdreg s13  }
0x20: {  	s15 =	sadd.s32 $0x2700, s4;
	[dreg:$0x1c] =	wrdreg s14  }
0x21: {  	s16 =	sadd.s32 $0x2880, s4;
	[dreg:$0x1d] =	wrdreg s15  }
0x22: {  	s17 =	sadd.s32 $0x2A00, s4;
	[dreg:$0x1e] =	wrdreg s16  }
0x23: {  	s18 =	sadd.s32 $0x2B80, s4;
	[dreg:$0x1f] =	wrdreg s17  }
0x24: {  	s19 =	sadd.s32 $0x2D00, s4;
	[smem:$0x7FB] =	sst s18  }
0x25: {  	s4 =	sadd.s32 $0x2E80, s4;
	[smem:$0x7FC] =	sst s19  }
0x26: {  	s20 =	simm.s32 $0x4400;
	[smem:$0x7FD] =	sst s4  }
0x27: {  	s6 =	simm.s32 $0x1800;
	[smem:$0x7E8] =	sst s20  }
0x28: {  	[smem:$0x7EF] =	sst s6  }
0x29: {  	s21 =	simm.s32 $0x100;
	s18 =	rddreg [dreg:$0x3]  }
0x2a: {  	s22 =	simm.s32 $0x8400;
	[smem:$0x7E7] =	sst s21  }
0x2b: {  	s23 =	simm.s32 $0x180;
	[smem:$0x7E9] =	sst s22  }
0x2c: {  	s24 =	simm.s32 $0xC400;
	[smem:$0x7E6] =	sst s23  }
0x2d: {  	s25 =	simm.s32 $0x200;
	[smem:$0x7EA] =	sst s24  }
0x2e: {  	s26 =	simm.s32 $0x10400;
	[smem:$0x7EB] =	sst s25  }
0x2f: {  	s0 =	simm.s32 $0xE00;
	[smem:$0x7EC] =	sst s26  }
0x30: {  	s7 =	simm.s32 $0x2200;
	[smem:$0x7EE] =	sst s0  }
0x31: {  	s8 =	simm.s32 $0x2C00;
	[smem:$0x7ED] =	sst s7  }
0x32: {  	s9 =	simm.s32 $0x3600;
	[smem:$0x7F0] =	sst s8  }
0x33: {  	s10 =	simm.s32 $0x4000;
	[smem:$0x7F1] =	sst s9  }
0x34: {  	s11 =	simm.s32 $0x4A00;
	[smem:$0x7F4] =	sst s10  }
0x35: {  	s12 =	simm.s32 $0x5400;
	[smem:$0x7F3] =	sst s11  }
0x36: {  	s13 =	simm.s32 $0x5E00;
	[smem:$0x7F5] =	sst s12  }
0x37: {  	s14 =	simm.s32 $0x6800;
	[smem:$0x7F6] =	sst s13  }
0x38: {  	s15 =	simm.s32 $0x7200;
	[smem:$0x7F2] =	sst s14  }
0x39: {  	s16 =	simm.s32 $0x7C00;
	[smem:$0x7F7] =	sst s15  }
0x3a: {  	s17 =	simm.s32 $0x8600;
	[smem:$0x7F8] =	sst s16  }
0x3b: {  	s19 =	simm.s32 $0x9000;
	[smem:$0x7F9] =	sst s17  }
0x3c: {  	s4 =	simm.s32 $0x7;
	[smem:$0x7FA] =	sst s19  }
0x3d: {  	[tilespmem:s2], [sflag:$0x7] =	stream.linear.gather [hbm4b:s18+s2], $0x280, $0x38;
	[tilespmem:$0x14800] =	vst v63  }
0x3e: {  	_ =	swait.ge [sflag:s4], $0x280  }
0x3f: {  	s20 =	sld [smem:$0x7E6]  }
0x40: {  	s5 =	sadd.s32 $0x400, s5;
	s9 =	sld [smem:$0x7E7]  }
0x41: {  	s6 =	simm.s32 $0x80;
	[sflag:s4] =	ssyncset.done $0x0;
	s10 =	sld [smem:$0x7E8]  }
0x42: {  	s7 =	simm.s32 $0x400;
	s11 =	sld [smem:$0x7E9];
	[sflag:s4] =	ssyncadd.s32 $0xFFFFFD80  }
0x43: {  	[tilespmem:s7], [sflag:$0x1] =	stream.indirect.gather [hbm4b:s5+s6], $0x80, s2, s6, $0xb8;
	[tilespmem:$0x14800] =	vst v63  }
0x44: {  	s12 =	sld [smem:$0x7EA]  }
0x45: {  	[tilespmem:s10], [sflag:$0x2] =	stream.indirect.gather [hbm4b:s5+s6], $0x80, s6, s6, $0xb8;
	[tilespmem:$0x14800] =	vst v63  }
0x46: {  	s21 =	sld [smem:$0x7EB]  }
0x47: {  	[tilespmem:s11], [sflag:$0x3] =	stream.indirect.gather [hbm4b:s5+s6], $0x80, s9, s6, $0xb8;
	[tilespmem:$0x14800] =	vst v63  }
0x48: {  	s22 =	sld [smem:$0x7EC]  }
0x49: {  	[tilespmem:s12], [sflag:$0x4] =	stream.indirect.gather [hbm4b:s5+s6], $0x80, s20, s6, $0xb8;
	[tilespmem:$0x14800] =	vst v63  }
0x4a: {  	s8 =	simm.s32 $0x1  }
0x4b: {  	[tilespmem:s22], [sflag:$0x5] =	stream.indirect.gather [hbm4b:s5+s6], $0x80, s21, s6, $0xb8;
	[tilespmem:$0x14800] =	vst v63  }
0x4c: {  	_ =	swait.ge [sflag:s8], $0x4000  }
0x4d: {  	s23 =	sld [smem:$0x7ED]  }
0x4e: {  	s24 =	rddreg [dreg:$0x4]  }
0x4f: {  	s25 =	rddreg [dreg:$0x6]  }
0x50: {  	[sflag:s8] =	ssyncset.done $0x0;
	s26 =	sld [smem:$0x7EE]  }
0x51: {  	s13 =	sld [smem:$0x7EF];
	[sflag:s8] =	ssyncadd.s32 $0xFFFFC000  }
0x52: {  	[hbm4b:s3+s2] =	stream.linear.scatter [tilespmem:s7], [sflag:$0x6], $0xC00, $0x38;
	[tilespmem:$0x14800] =	vst v63  }
0x53: {  	s14 =	rddreg [dreg:$0x5]  }
0x54: {  	[hbm4b:s24+s2] =	stream.linear.scatter [tilespmem:s26], [sflag:$0x6], $0xC00, $0x38;
	[tilespmem:$0x14800] =	vst v63  }
0x55: {  	s15 =	sld [smem:$0x7F0]  }
0x56: {  	[hbm4b:s14+s2] =	stream.linear.scatter [tilespmem:s13], [sflag:$0x6], $0xC00, $0x38;
	[tilespmem:$0x14800] =	vst v63  }
0x57: {  	s16 =	rddreg [dreg:$0x7]  }
0x58: {  	[hbm4b:s25+s2] =	stream.linear.scatter [tilespmem:s23], [sflag:$0x6], $0xC00, $0x38;
	[tilespmem:$0x14800] =	vst v63  }
0x59: {  	s17 =	sld [smem:$0x7F1]  }
0x5a: {  	[hbm4b:s16+s2] =	stream.linear.scatter [tilespmem:s15], [sflag:$0x6], $0xC00, $0x38;
	[tilespmem:$0x14800] =	vst v63  }
0x5b: {  	s9 =	simm.s32 $0x2;
	s0 =	rddreg [dreg:$0x8]  }
0x5c: {  	[hbm4b:s0+s2] =	stream.linear.scatter [tilespmem:s17], [sflag:$0x6], $0xC00, $0x38;
	[tilespmem:$0x14800] =	vst v63  }
0x5d: {  	_ =	swait.ge [sflag:s9], $0x4000  }
0x5e: {  	s18 =	sld [smem:$0x7F2]  }
0x5f: {  	s19 =	sld [smem:$0x7F3]  }
0x60: {  	s20 =	sld [smem:$0x7F4]  }
0x61: {  	s21 =	rddreg [dreg:$0xb]  }
0x62: {  	s22 =	rddreg [dreg:$0x9]  }
0x63: {  	s23 =	sld [smem:$0x7F5];
	[sflag:s9] =	ssyncset.done $0x0  }
0x64: {  	s16 =	rddreg [dreg:$0xa];
	[sflag:s9] =	ssyncadd.s32 $0xFFFFC000  }
0x65: {  	[hbm4b:s22+s2] =	stream.linear.scatter [tilespmem:s20], [sflag:$0x6], $0xC00, $0x38;
	[tilespmem:$0x14800] =	vst v63  }
0x66: {  	s17 =	sld [smem:$0x7F6]  }
0x67: {  	[hbm4b:s16+s2] =	stream.linear.scatter [tilespmem:s19], [sflag:$0x6], $0xC00, $0x38;
	[tilespmem:$0x14800] =	vst v63  }
0x68: {  	s24 =	rddreg [dreg:$0xc]  }
0x69: {  	[hbm4b:s21+s2] =	stream.linear.scatter [tilespmem:s23], [sflag:$0x6], $0xC00, $0x38;
	[tilespmem:$0x14800] =	vst v63  }
0x6a: {  	s25 =	rddreg [dreg:$0xd]  }
0x6b: {  	[hbm4b:s24+s2] =	stream.linear.scatter [tilespmem:s17], [sflag:$0x6], $0xC00, $0x38;
	[tilespmem:$0x14800] =	vst v63  }
0x6c: {  	s26 =	sld [smem:$0x7F7]  }
0x6d: {  	[hbm4b:s25+s2] =	stream.linear.scatter [tilespmem:s18], [sflag:$0x6], $0xC00, $0x38;
	[tilespmem:$0x14800] =	vst v63  }
0x6e: {  	s10 =	simm.s32 $0x3;
	s0 =	rddreg [dreg:$0xe]  }
0x6f: {  	[hbm4b:s0+s2] =	stream.linear.scatter [tilespmem:s26], [sflag:$0x6], $0xC00, $0x38;
	[tilespmem:$0x14800] =	vst v63  }
0x70: {  	_ =	swait.ge [sflag:s10], $0x4000  }
0x71: {  	s13 =	rddreg [dreg:$0xf]  }
0x72: {  	s14 =	sld [smem:$0x7F8]  }
0x73: {  	[sflag:s10] =	ssyncset.done $0x0;
	s15 =	sld [smem:$0x7F9]  }
0x74: {  	s16 =	rddreg [dreg:$0x10];
	[sflag:s10] =	ssyncadd.s32 $0xFFFFC000  }
0x75: {  	[hbm4b:s13+s2] =	stream.linear.scatter [tilespmem:s14], [sflag:$0x6], $0xC00, $0x38;
	[tilespmem:$0x14800] =	vst v63  }
0x76: {  	s18 =	sld [smem:$0x7FA]  }
0x77: {  	[hbm4b:s16+s2] =	stream.linear.scatter [tilespmem:s15], [sflag:$0x6], $0xC00, $0x38;
	[tilespmem:$0x14800] =	vst v63  }
0x78: {  	s17 =	rddreg [dreg:$0x11]  }
0x79: {  	[hbm4b:s17+s2] =	stream.linear.scatter [tilespmem:s18], [sflag:$0x6], $0xC00, $0x38;
	[tilespmem:$0x14800] =	vst v63  }
0x7a: {  	s20 =	simm.s32 $0x9A00;
	s19 =	rddreg [dreg:$0x12]  }
0x7b: {  	[hbm4b:s19+s2] =	stream.linear.scatter [tilespmem:s20], [sflag:$0x6], $0xC00, $0x38;
	[tilespmem:$0x14800] =	vst v63  }
0x7c: {  	s22 =	simm.s32 $0xA400;
	s21 =	rddreg [dreg:$0x13]  }
0x7d: {  	[hbm4b:s21+s2] =	stream.linear.scatter [tilespmem:s22], [sflag:$0x6], $0xC00, $0x38;
	[tilespmem:$0x14800] =	vst v63  }
0x7e: {  	s24 =	simm.s32 $0xAE00;
	s23 =	rddreg [dreg:$0x14]  }
0x7f: {  	[hbm4b:s23+s2] =	stream.linear.scatter [tilespmem:s24], [sflag:$0x6], $0xC00, $0x38;
	[tilespmem:$0x14800] =	vst v63  }
0x80: {  	s26 =	simm.s32 $0xB800;
	s25 =	rddreg [dreg:$0x15];
	s15 =	simm.s32 $0x4  }
0x81: {  	[hbm4b:s25+s2] =	stream.linear.scatter [tilespmem:s26], [sflag:$0x6], $0xC00, $0x38;
	[tilespmem:$0x14800] =	vst v63  }
0x82: {  	_ =	swait.ge [sflag:s15], $0x4000  }
0x83: {  	[sflag:s15] =	ssyncset.done $0x0  }
0x84: {  	s11 =	simm.s32 $0xC200;
	s0 =	rddreg [dreg:$0x16];
	[sflag:s15] =	ssyncadd.s32 $0xFFFFC000  }
0x85: {  	[hbm4b:s0+s2] =	stream.linear.scatter [tilespmem:s11], [sflag:$0x6], $0xC00, $0x38;
	[tilespmem:$0x14800] =	vst v63  }
0x86: {  	s12 =	simm.s32 $0xCC00;
	s18 =	rddreg [dreg:$0x17]  }
0x87: {  	[hbm4b:s18+s2] =	stream.linear.scatter [tilespmem:s12], [sflag:$0x6], $0xC00, $0x38;
	[tilespmem:$0x14800] =	vst v63  }
0x88: {  	s13 =	simm.s32 $0xD600;
	s19 =	rddreg [dreg:$0x18]  }
0x89: {  	[hbm4b:s19+s2] =	stream.linear.scatter [tilespmem:s13], [sflag:$0x6], $0xC00, $0x38;
	[tilespmem:$0x14800] =	vst v63  }
0x8a: {  	s20 =	rddreg [dreg:$0x19];
	s19 =	simm.s32 $0xE000  }
0x8b: {  	[hbm4b:s20+s2] =	stream.linear.scatter [tilespmem:s19], [sflag:$0x6], $0xC00, $0x38;
	[tilespmem:$0x14800] =	vst v63  }
0x8c: {  	s21 =	rddreg [dreg:$0x1a];
	s20 =	simm.s32 $0xEA00  }
0x8d: {  	[hbm4b:s21+s2] =	stream.linear.scatter [tilespmem:s20], [sflag:$0x6], $0xC00, $0x38;
	[tilespmem:$0x14800] =	vst v63  }
0x8e: {  	s22 =	simm.s32 $0x5;
	s23 =	rddreg [dreg:$0x1b];
	s21 =	simm.s32 $0xF400  }
0x8f: {  	[hbm4b:s23+s2] =	stream.linear.scatter [tilespmem:s21], [sflag:$0x6], $0xC00, $0x38;
	[tilespmem:$0x14800] =	vst v63  }
0x90: {  	_ =	swait.ge [sflag:s22], $0x4000  }
0x91: {  	s24 =	rddreg [dreg:$0x1c];
	[sflag:s22] =	ssyncset.done $0x0  }
0x92: {  	s23 =	simm.s32 $0xFE00;
	s26 =	rddreg [dreg:$0x1d];
	[sflag:s22] =	ssyncadd.s32 $0xFFFFC000  }
0x93: {  	[hbm4b:s24+s2] =	stream.linear.scatter [tilespmem:s23], [sflag:$0x6], $0xC00, $0x38;
	[tilespmem:$0x14800] =	vst v63  }
0x94: {  	s25 =	simm.s32 $0x10800;
	s14 =	rddreg [dreg:$0x1e]  }
0x95: {  	[hbm4b:s26+s2] =	stream.linear.scatter [tilespmem:s25], [sflag:$0x6], $0xC00, $0x38;
	[tilespmem:$0x14800] =	vst v63  }
0x96: {  	s29 =	rddreg [dreg:$0x1f];
	s26 =	simm.s32 $0x11200  }
0x97: {  	[hbm4b:s14+s2] =	stream.linear.scatter [tilespmem:s26], [sflag:$0x6], $0xC00, $0x38;
	[tilespmem:$0x14800] =	vst v63  }
0x98: {  	s28 =	simm.s32 $0x11C00;
	s16 =	sld [smem:$0x7FB]  }
0x99: {  	[hbm4b:s29+s2] =	stream.linear.scatter [tilespmem:s28], [sflag:$0x6], $0xC00, $0x38;
	[tilespmem:$0x14800] =	vst v63  }
0x9a: {  	s31 =	sld [smem:$0x7FC];
	s29 =	simm.s32 $0x12600  }
0x9b: {  	[hbm4b:s16+s2] =	stream.linear.scatter [tilespmem:s29], [sflag:$0x6], $0xC00, $0x38;
	[tilespmem:$0x14800] =	vst v63  }
0x9c: {  	s30 =	simm.s32 $0x13000;
	s17 =	sld [smem:$0x7FD]  }
0x9d: {  	[hbm4b:s31+s2] =	stream.linear.scatter [tilespmem:s30], [sflag:$0x6], $0xC00, $0x38;
	[tilespmem:$0x14800] =	vst v63  }
0x9e: {  	s24 =	simm.s32 $0x6;
	s31 =	simm.s32 $0x13A00  }
0x9f: {  	[hbm4b:s17+s2] =	stream.linear.scatter [tilespmem:s31], [sflag:$0x6], $0xC00, $0x38;
	[tilespmem:$0x14800] =	vst v63  }
0xa0: {  	_ =	swait.ge [sflag:s24], $0xC00  }
0xa1: {  	[sflag:s24] =	ssyncset.done $0x0  }
0xa2: {  	[sflag:s24] =	ssyncadd.s32 $0xFFFFF400  }
0xa3: {  	_ =	swait.ge [sflag:s24], $0xC00  }
0xa4: {  	[sflag:s24] =	ssyncset.done $0x0  }
0xa5: {  	[sflag:s24] =	ssyncadd.s32 $0xFFFFF400  }
0xa6: {  	_ =	swait.ge [sflag:s24], $0xC00  }
0xa7: {  	[sflag:s24] =	ssyncset.done $0x0  }
0xa8: {  	[sflag:s24] =	ssyncadd.s32 $0xFFFFF400  }
0xa9: {  	_ =	swait.ge [sflag:s24], $0xC00  }
0xaa: {  	[sflag:s24] =	ssyncset.done $0x0  }
0xab: {  	[sflag:s24] =	ssyncadd.s32 $0xFFFFF400  }
0xac: {  	_ =	swait.ge [sflag:s24], $0xC00  }
0xad: {  	[sflag:s24] =	ssyncset.done $0x0  }
0xae: {  	[sflag:s24] =	ssyncadd.s32 $0xFFFFF400  }
0xaf: {  	_ =	swait.ge [sflag:s24], $0xC00  }
0xb0: {  	[sflag:s24] =	ssyncset.done $0x0  }
0xb1: {  	[sflag:s24] =	ssyncadd.s32 $0xFFFFF400  }
0xb2: {  	_ =	swait.ge [sflag:s24], $0xC00  }
0xb3: {  	[sflag:s24] =	ssyncset.done $0x0  }
0xb4: {  	[sflag:s24] =	ssyncadd.s32 $0xFFFFF400  }
0xb5: {  	_ =	swait.ge [sflag:s24], $0xC00  }
0xb6: {  	[sflag:s24] =	ssyncset.done $0x0  }
0xb7: {  	[sflag:s24] =	ssyncadd.s32 $0xFFFFF400  }
0xb8: {  	_ =	swait.ge [sflag:s24], $0xC00  }
0xb9: {  	[sflag:s24] =	ssyncset.done $0x0  }
0xba: {  	[sflag:s24] =	ssyncadd.s32 $0xFFFFF400  }
0xbb: {  	_ =	swait.ge [sflag:s24], $0xC00  }
0xbc: {  	[sflag:s24] =	ssyncset.done $0x0  }
0xbd: {  	[sflag:s24] =	ssyncadd.s32 $0xFFFFF400  }
0xbe: {  	_ =	swait.ge [sflag:s24], $0xC00  }
0xbf: {  	[sflag:s24] =	ssyncset.done $0x0  }
0xc0: {  	[sflag:s24] =	ssyncadd.s32 $0xFFFFF400  }
0xc1: {  	_ =	swait.ge [sflag:s24], $0xC00  }
0xc2: {  	[sflag:s24] =	ssyncset.done $0x0  }
0xc3: {  	[sflag:s24] =	ssyncadd.s32 $0xFFFFF400  }
0xc4: {  	_ =	swait.ge [sflag:s24], $0xC00  }
0xc5: {  	[sflag:s24] =	ssyncset.done $0x0  }
0xc6: {  	[sflag:s24] =	ssyncadd.s32 $0xFFFFF400  }
0xc7: {  	_ =	swait.ge [sflag:s24], $0xC00  }
0xc8: {  	[sflag:s24] =	ssyncset.done $0x0  }
0xc9: {  	[sflag:s24] =	ssyncadd.s32 $0xFFFFF400  }
0xca: {  	_ =	swait.ge [sflag:s24], $0xC00  }
0xcb: {  	[sflag:s24] =	ssyncset.done $0x0  }
0xcc: {  	[sflag:s24] =	ssyncadd.s32 $0xFFFFF400  }
0xcd: {  	_ =	swait.ge [sflag:s24], $0xC00  }
0xce: {  	[sflag:s24] =	ssyncset.done $0x0  }
0xcf: {  	[sflag:s24] =	ssyncadd.s32 $0xFFFFF400  }
0xd0: {  	_ =	swait.ge [sflag:s24], $0xC00  }
0xd1: {  	[sflag:s24] =	ssyncset.done $0x0  }
0xd2: {  	[sflag:s24] =	ssyncadd.s32 $0xFFFFF400  }
0xd3: {  	_ =	swait.ge [sflag:s24], $0xC00  }
0xd4: {  	[sflag:s24] =	ssyncset.done $0x0  }
0xd5: {  	[sflag:s24] =	ssyncadd.s32 $0xFFFFF400  }
0xd6: {  	_ =	swait.ge [sflag:s24], $0xC00  }
0xd7: {  	[sflag:s24] =	ssyncset.done $0x0  }
0xd8: {  	[sflag:s24] =	ssyncadd.s32 $0xFFFFF400  }
0xd9: {  	_ =	swait.ge [sflag:s24], $0xC00  }
0xda: {  	[sflag:s24] =	ssyncset.done $0x0  }
0xdb: {  	[sflag:s24] =	ssyncadd.s32 $0xFFFFF400  }
0xdc: {  	_ =	swait.ge [sflag:s24], $0xC00  }
0xdd: {  	[sflag:s24] =	ssyncset.done $0x0  }
0xde: {  	[sflag:s24] =	ssyncadd.s32 $0xFFFFF400  }
0xdf: {  	_ =	swait.ge [sflag:s24], $0xC00  }
0xe0: {  	[sflag:s24] =	ssyncset.done $0x0  }
0xe1: {  	[sflag:s24] =	ssyncadd.s32 $0xFFFFF400  }
0xe2: {  	_ =	swait.ge [sflag:s24], $0xC00  }
0xe3: {  	[sflag:s24] =	ssyncset.done $0x0  }
0xe4: {  	s1 =	ssub.s32 $0x2, s1;
	[sflag:s24] =	ssyncadd.s32 $0xFFFFF400  }
0xe5: {  	s18 =	sshrl.u32 s1, $0x1;
	_ =	swait.ge [sflag:s24], $0xC00  }
0xe6: {  	s0 =	ssub.s32 s1, s18;
	[sflag:s24] =	ssyncset.done $0x0  }
0xe7: {  	s0 =	smax.u32 s0, $0x1;
	[sflag:s24] =	ssyncadd.s32 $0xFFFFF400  }
0xe8: {  	p0 =	sne.s32 s0, $0x1;
	_ =	swait.ge [sflag:s24], $0xC00  }
.Ltmp0:
0xe9: {  	[sflag:s24] =	ssyncset.done $0x0;
	(pc) =	sbr.rel @!p0 .LBB2_2-.Ltmp0, $4  }
0xea: {  	[sflag:s24] =	ssyncadd.s32 $0xFFFFF400  }
0xeb: {  	_ =	swait.ge [sflag:s24], $0xC00  }
0xec: {  	[sflag:s24] =	ssyncset.done $0x0  }
0xed: {  	s1 =	sadd.s32 $0xFFFFFFFF, s0;
	[sflag:s24] =	ssyncadd.s32 $0xFFFFF400  }
.LBB2_1:
0xee: {  	_ =	swait.ge [sflag:s24], $0xC00  }
0xef: {  	[sflag:s24] =	ssyncset.done $0x0  }
0xf0: {  	[sflag:s24] =	ssyncadd.s32 $0xFFFFF400  }
0xf1: {  	_ =	swait.ge [sflag:s24], $0xC00  }
0xf2: {  	[sflag:s24] =	ssyncset.done $0x0  }
0xf3: {  	[sflag:s24] =	ssyncadd.s32 $0xFFFFF400  }
0xf4: {  	_ =	swait.ge [sflag:s24], $0xC00  }
0xf5: {  	[sflag:s24] =	ssyncset.done $0x0  }
0xf6: {  	[sflag:s24] =	ssyncadd.s32 $0xFFFFF400  }
0xf7: {  	_ =	swait.ge [sflag:s24], $0xC00  }
0xf8: {  	[sflag:s24] =	ssyncset.done $0x0  }
0xf9: {  	[sflag:s24] =	ssyncadd.s32 $0xFFFFF400  }
0xfa: {  	_ =	swait.ge [sflag:s24], $0xC00  }
0xfb: {  	[sflag:s24] =	ssyncset.done $0x0  }
0xfc: {  	[sflag:s24] =	ssyncadd.s32 $0xFFFFF400  }
0xfd: {  	_ =	swait.ge [sflag:s24], $0xC00  }
0xfe: {  	[sflag:s24] =	ssyncset.done $0x0  }
0xff: {  	s0 =	rddreg [dreg:$0x3];
	[sflag:s24] =	ssyncadd.s32 $0xFFFFF400  }
0x100: {  	[tilespmem:s2], [sflag:$0x7] =	stream.linear.gather [hbm4b:s0+s2], $0x280, $0x38;
	[tilespmem:$0x14800] =	vst v63  }
0x101: {  	_ =	swait.ge [sflag:s4], $0x280  }
0x102: {  	s17 =	sld [smem:$0x7E6]  }
0x103: {  	s11 =	sld [smem:$0x7E7]  }
0x104: {  	[sflag:s4] =	ssyncset.done $0x0;
	s12 =	sld [smem:$0x7E8]  }
0x105: {  	s13 =	sld [smem:$0x7E9];
	[sflag:s4] =	ssyncadd.s32 $0xFFFFFD80  }
0x106: {  	[tilespmem:s7], [sflag:$0x1] =	stream.indirect.gather [hbm4b:s5+s6], $0x80, s2, s6, $0xb8;
	[tilespmem:$0x14800] =	vst v63  }
0x107: {  	s14 =	sld [smem:$0x7EA]  }
0x108: {  	[tilespmem:s12], [sflag:$0x2] =	stream.indirect.gather [hbm4b:s5+s6], $0x80, s6, s6, $0xb8;
	[tilespmem:$0x14800] =	vst v63  }
0x109: {  	s16 =	sld [smem:$0x7EB]  }
0x10a: {  	[tilespmem:s13], [sflag:$0x3] =	stream.indirect.gather [hbm4b:s5+s6], $0x80, s11, s6, $0xb8;
	[tilespmem:$0x14800] =	vst v63  }
0x10b: {  	s18 =	sld [smem:$0x7EC]  }
0x10c: {  	[tilespmem:s14], [sflag:$0x4] =	stream.indirect.gather [hbm4b:s5+s6], $0x80, s17, s6, $0xb8;
	[tilespmem:$0x14800] =	vst v63  }
0x10d: {  	_ = 	snop  }
0x10e: {  	[tilespmem:s18], [sflag:$0x5] =	stream.indirect.gather [hbm4b:s5+s6], $0x80, s16, s6, $0xb8;
	[tilespmem:$0x14800] =	vst v63  }
0x10f: {  	_ =	swait.ge [sflag:s8], $0x4000  }
0x110: {  	s0 =	sld [smem:$0x7ED]  }
0x111: {  	s13 =	rddreg [dreg:$0x4]  }
0x112: {  	s12 =	rddreg [dreg:$0x6]  }
0x113: {  	[sflag:s8] =	ssyncset.done $0x0;
	s14 =	sld [smem:$0x7EE]  }
0x114: {  	s16 =	sld [smem:$0x7EF];
	[sflag:s8] =	ssyncadd.s32 $0xFFFFC000  }
0x115: {  	[hbm4b:s3+s2] =	stream.linear.scatter [tilespmem:s7], [sflag:$0x6], $0xC00, $0x38;
	[tilespmem:$0x14800] =	vst v63  }
0x116: {  	s18 =	rddreg [dreg:$0x5]  }
0x117: {  	[hbm4b:s13+s2] =	stream.linear.scatter [tilespmem:s14], [sflag:$0x6], $0xC00, $0x38;
	[tilespmem:$0x14800] =	vst v63  }
0x118: {  	s17 =	sld [smem:$0x7F0]  }
0x119: {  	[hbm4b:s18+s2] =	stream.linear.scatter [tilespmem:s16], [sflag:$0x6], $0xC00, $0x38;
	[tilespmem:$0x14800] =	vst v63  }
0x11a: {  	s18 =	rddreg [dreg:$0x7]  }
0x11b: {  	[hbm4b:s12+s2] =	stream.linear.scatter [tilespmem:s0], [sflag:$0x6], $0xC00, $0x38;
	[tilespmem:$0x14800] =	vst v63  }
0x11c: {  	s12 =	sld [smem:$0x7F1]  }
0x11d: {  	[hbm4b:s18+s2] =	stream.linear.scatter [tilespmem:s17], [sflag:$0x6], $0xC00, $0x38;
	[tilespmem:$0x14800] =	vst v63  }
0x11e: {  	s11 =	rddreg [dreg:$0x8]  }
0x11f: {  	[hbm4b:s11+s2] =	stream.linear.scatter [tilespmem:s12], [sflag:$0x6], $0xC00, $0x38;
	[tilespmem:$0x14800] =	vst v63  }
0x120: {  	_ =	swait.ge [sflag:s9], $0x4000  }
0x121: {  	s0 =	sld [smem:$0x7F2]  }
0x122: {  	s11 =	sld [smem:$0x7F3]  }
0x123: {  	s12 =	sld [smem:$0x7F4]  }
0x124: {  	s13 =	rddreg [dreg:$0xb]  }
0x125: {  	s14 =	rddreg [dreg:$0x9]  }
0x126: {  	[sflag:s9] =	ssyncset.done $0x0;
	s16 =	sld [smem:$0x7F5]  }
0x127: {  	s17 =	rddreg [dreg:$0xa];
	[sflag:s9] =	ssyncadd.s32 $0xFFFFC000  }
0x128: {  	[hbm4b:s14+s2] =	stream.linear.scatter [tilespmem:s12], [sflag:$0x6], $0xC00, $0x38;
	[tilespmem:$0x14800] =	vst v63  }
0x129: {  	s18 =	sld [smem:$0x7F6]  }
0x12a: {  	[hbm4b:s17+s2] =	stream.linear.scatter [tilespmem:s11], [sflag:$0x6], $0xC00, $0x38;
	[tilespmem:$0x14800] =	vst v63  }
0x12b: {  	s12 =	rddreg [dreg:$0xc]  }
0x12c: {  	[hbm4b:s13+s2] =	stream.linear.scatter [tilespmem:s16], [sflag:$0x6], $0xC00, $0x38;
	[tilespmem:$0x14800] =	vst v63  }
0x12d: {  	s14 =	rddreg [dreg:$0xd]  }
0x12e: {  	[hbm4b:s12+s2] =	stream.linear.scatter [tilespmem:s18], [sflag:$0x6], $0xC00, $0x38;
	[tilespmem:$0x14800] =	vst v63  }
0x12f: {  	s17 =	sld [smem:$0x7F7]  }
0x130: {  	[hbm4b:s14+s2] =	stream.linear.scatter [tilespmem:s0], [sflag:$0x6], $0xC00, $0x38;
	[tilespmem:$0x14800] =	vst v63  }
0x131: {  	s18 =	rddreg [dreg:$0xe]  }
0x132: {  	[hbm4b:s18+s2] =	stream.linear.scatter [tilespmem:s17], [sflag:$0x6], $0xC00, $0x38;
	[tilespmem:$0x14800] =	vst v63  }
0x133: {  	_ =	swait.ge [sflag:s10], $0x4000  }
0x134: {  	s14 =	rddreg [dreg:$0xf]  }
0x135: {  	s16 =	sld [smem:$0x7F8]  }
0x136: {  	[sflag:s10] =	ssyncset.done $0x0;
	s17 =	sld [smem:$0x7F9]  }
0x137: {  	s18 =	rddreg [dreg:$0x10];
	[sflag:s10] =	ssyncadd.s32 $0xFFFFC000  }
0x138: {  	[hbm4b:s14+s2] =	stream.linear.scatter [tilespmem:s16], [sflag:$0x6], $0xC00, $0x38;
	[tilespmem:$0x14800] =	vst v63  }
0x139: {  	s16 =	sld [smem:$0x7FA]  }
0x13a: {  	[hbm4b:s18+s2] =	stream.linear.scatter [tilespmem:s17], [sflag:$0x6], $0xC00, $0x38;
	[tilespmem:$0x14800] =	vst v63  }
0x13b: {  	s14 =	rddreg [dreg:$0x11]  }
0x13c: {  	[hbm4b:s14+s2] =	stream.linear.scatter [tilespmem:s16], [sflag:$0x6], $0xC00, $0x38;
	[tilespmem:$0x14800] =	vst v63  }
0x13d: {  	s13 =	simm.s32 $0x9A00;
	s17 =	rddreg [dreg:$0x12]  }
0x13e: {  	[hbm4b:s17+s2] =	stream.linear.scatter [tilespmem:s13], [sflag:$0x6], $0xC00, $0x38;
	[tilespmem:$0x14800] =	vst v63  }
0x13f: {  	s18 =	rddreg [dreg:$0x13];
	s16 =	simm.s32 $0xA400  }
0x140: {  	[hbm4b:s18+s2] =	stream.linear.scatter [tilespmem:s16], [sflag:$0x6], $0xC00, $0x38;
	[tilespmem:$0x14800] =	vst v63  }
0x141: {  	s14 =	rddreg [dreg:$0x14];
	s18 =	simm.s32 $0xAE00  }
0x142: {  	[hbm4b:s14+s2] =	stream.linear.scatter [tilespmem:s18], [sflag:$0x6], $0xC00, $0x38;
	[tilespmem:$0x14800] =	vst v63  }
0x143: {  	s17 =	rddreg [dreg:$0x15];
	s13 =	simm.s32 $0xB800  }
0x144: {  	[hbm4b:s17+s2] =	stream.linear.scatter [tilespmem:s13], [sflag:$0x6], $0xC00, $0x38;
	[tilespmem:$0x14800] =	vst v63  }
0x145: {  	_ =	swait.ge [sflag:s15], $0x4000  }
0x146: {  	[sflag:s15] =	ssyncset.done $0x0  }
0x147: {  	s17 =	simm.s32 $0xC200;
	s14 =	rddreg [dreg:$0x16];
	[sflag:s15] =	ssyncadd.s32 $0xFFFFC000  }
0x148: {  	[hbm4b:s14+s2] =	stream.linear.scatter [tilespmem:s17], [sflag:$0x6], $0xC00, $0x38;
	[tilespmem:$0x14800] =	vst v63  }
0x149: {  	s13 =	simm.s32 $0xCC00;
	s16 =	rddreg [dreg:$0x17]  }
0x14a: {  	[hbm4b:s16+s2] =	stream.linear.scatter [tilespmem:s13], [sflag:$0x6], $0xC00, $0x38;
	[tilespmem:$0x14800] =	vst v63  }
0x14b: {  	s18 =	rddreg [dreg:$0x18];
	s16 =	simm.s32 $0xD600  }
0x14c: {  	[hbm4b:s18+s2] =	stream.linear.scatter [tilespmem:s16], [sflag:$0x6], $0xC00, $0x38;
	[tilespmem:$0x14800] =	vst v63  }
0x14d: {  	s14 =	rddreg [dreg:$0x19]  }
0x14e: {  	[hbm4b:s14+s2] =	stream.linear.scatter [tilespmem:s19], [sflag:$0x6], $0xC00, $0x38;
	[tilespmem:$0x14800] =	vst v63  }
0x14f: {  	s17 =	rddreg [dreg:$0x1a]  }
0x150: {  	[hbm4b:s17+s2] =	stream.linear.scatter [tilespmem:s20], [sflag:$0x6], $0xC00, $0x38;
	[tilespmem:$0x14800] =	vst v63  }
0x151: {  	s18 =	rddreg [dreg:$0x1b]  }
0x152: {  	[hbm4b:s18+s2] =	stream.linear.scatter [tilespmem:s21], [sflag:$0x6], $0xC00, $0x38;
	[tilespmem:$0x14800] =	vst v63  }
0x153: {  	_ =	swait.ge [sflag:s22], $0x4000  }
0x154: {  	s11 =	rddreg [dreg:$0x1c];
	[sflag:s22] =	ssyncset.done $0x0  }
0x155: {  	s12 =	rddreg [dreg:$0x1d];
	[sflag:s22] =	ssyncadd.s32 $0xFFFFC000  }
0x156: {  	[hbm4b:s11+s2] =	stream.linear.scatter [tilespmem:s23], [sflag:$0x6], $0xC00, $0x38;
	[tilespmem:$0x14800] =	vst v63  }
0x157: {  	s13 =	rddreg [dreg:$0x1e]  }
0x158: {  	[hbm4b:s12+s2] =	stream.linear.scatter [tilespmem:s25], [sflag:$0x6], $0xC00, $0x38;
	[tilespmem:$0x14800] =	vst v63  }
0x159: {  	s14 =	rddreg [dreg:$0x1f]  }
0x15a: {  	[hbm4b:s13+s2] =	stream.linear.scatter [tilespmem:s26], [sflag:$0x6], $0xC00, $0x38;
	[tilespmem:$0x14800] =	vst v63  }
0x15b: {  	s16 =	sld [smem:$0x7FB]  }
0x15c: {  	[hbm4b:s14+s2] =	stream.linear.scatter [tilespmem:s28], [sflag:$0x6], $0xC00, $0x38;
	[tilespmem:$0x14800] =	vst v63  }
0x15d: {  	s17 =	sld [smem:$0x7FC]  }
0x15e: {  	[hbm4b:s16+s2] =	stream.linear.scatter [tilespmem:s29], [sflag:$0x6], $0xC00, $0x38;
	[tilespmem:$0x14800] =	vst v63  }
0x15f: {  	s18 =	sld [smem:$0x7FD]  }
0x160: {  	[hbm4b:s17+s2] =	stream.linear.scatter [tilespmem:s30], [sflag:$0x6], $0xC00, $0x38;
	[tilespmem:$0x14800] =	vst v63  }
0x161: {  	_ = 	snop  }
0x162: {  	[hbm4b:s18+s2] =	stream.linear.scatter [tilespmem:s31], [sflag:$0x6], $0xC00, $0x38;
	[tilespmem:$0x14800] =	vst v63  }
0x163: {  	_ =	swait.ge [sflag:s24], $0xC00  }
0x164: {  	[sflag:s24] =	ssyncset.done $0x0  }
0x165: {  	[sflag:s24] =	ssyncadd.s32 $0xFFFFF400  }
0x166: {  	_ =	swait.ge [sflag:s24], $0xC00  }
0x167: {  	[sflag:s24] =	ssyncset.done $0x0  }
0x168: {  	[sflag:s24] =	ssyncadd.s32 $0xFFFFF400  }
0x169: {  	_ =	swait.ge [sflag:s24], $0xC00  }
0x16a: {  	[sflag:s24] =	ssyncset.done $0x0  }
0x16b: {  	[sflag:s24] =	ssyncadd.s32 $0xFFFFF400  }
0x16c: {  	_ =	swait.ge [sflag:s24], $0xC00  }
0x16d: {  	[sflag:s24] =	ssyncset.done $0x0  }
0x16e: {  	[sflag:s24] =	ssyncadd.s32 $0xFFFFF400  }
0x16f: {  	_ =	swait.ge [sflag:s24], $0xC00  }
0x170: {  	[sflag:s24] =	ssyncset.done $0x0  }
0x171: {  	[sflag:s24] =	ssyncadd.s32 $0xFFFFF400  }
0x172: {  	_ =	swait.ge [sflag:s24], $0xC00  }
0x173: {  	[sflag:s24] =	ssyncset.done $0x0  }
0x174: {  	[sflag:s24] =	ssyncadd.s32 $0xFFFFF400  }
0x175: {  	_ =	swait.ge [sflag:s24], $0xC00  }
0x176: {  	[sflag:s24] =	ssyncset.done $0x0  }
0x177: {  	[sflag:s24] =	ssyncadd.s32 $0xFFFFF400  }
0x178: {  	_ =	swait.ge [sflag:s24], $0xC00  }
0x179: {  	[sflag:s24] =	ssyncset.done $0x0  }
0x17a: {  	[sflag:s24] =	ssyncadd.s32 $0xFFFFF400  }
0x17b: {  	_ =	swait.ge [sflag:s24], $0xC00  }
0x17c: {  	[sflag:s24] =	ssyncset.done $0x0  }
0x17d: {  	[sflag:s24] =	ssyncadd.s32 $0xFFFFF400  }
0x17e: {  	_ =	swait.ge [sflag:s24], $0xC00  }
0x17f: {  	[sflag:s24] =	ssyncset.done $0x0  }
0x180: {  	[sflag:s24] =	ssyncadd.s32 $0xFFFFF400  }
0x181: {  	_ =	swait.ge [sflag:s24], $0xC00  }
0x182: {  	[sflag:s24] =	ssyncset.done $0x0  }
0x183: {  	[sflag:s24] =	ssyncadd.s32 $0xFFFFF400  }
0x184: {  	_ =	swait.ge [sflag:s24], $0xC00  }
0x185: {  	[sflag:s24] =	ssyncset.done $0x0  }
0x186: {  	[sflag:s24] =	ssyncadd.s32 $0xFFFFF400  }
0x187: {  	_ =	swait.ge [sflag:s24], $0xC00  }
0x188: {  	[sflag:s24] =	ssyncset.done $0x0  }
0x189: {  	[sflag:s24] =	ssyncadd.s32 $0xFFFFF400  }
0x18a: {  	_ =	swait.ge [sflag:s24], $0xC00  }
0x18b: {  	[sflag:s24] =	ssyncset.done $0x0  }
0x18c: {  	[sflag:s24] =	ssyncadd.s32 $0xFFFFF400  }
0x18d: {  	_ =	swait.ge [sflag:s24], $0xC00  }
0x18e: {  	[sflag:s24] =	ssyncset.done $0x0  }
0x18f: {  	[sflag:s24] =	ssyncadd.s32 $0xFFFFF400  }
0x190: {  	_ =	swait.ge [sflag:s24], $0xC00  }
0x191: {  	[sflag:s24] =	ssyncset.done $0x0  }
0x192: {  	[sflag:s24] =	ssyncadd.s32 $0xFFFFF400  }
0x193: {  	_ =	swait.ge [sflag:s24], $0xC00  }
0x194: {  	[sflag:s24] =	ssyncset.done $0x0  }
0x195: {  	[sflag:s24] =	ssyncadd.s32 $0xFFFFF400  }
0x196: {  	_ =	swait.ge [sflag:s24], $0xC00  }
0x197: {  	[sflag:s24] =	ssyncset.done $0x0  }
0x198: {  	[sflag:s24] =	ssyncadd.s32 $0xFFFFF400  }
0x199: {  	_ =	swait.ge [sflag:s24], $0xC00  }
0x19a: {  	[sflag:s24] =	ssyncset.done $0x0  }
0x19b: {  	[sflag:s24] =	ssyncadd.s32 $0xFFFFF400  }
0x19c: {  	_ =	swait.ge [sflag:s24], $0xC00  }
0x19d: {  	[sflag:s24] =	ssyncset.done $0x0  }
0x19e: {  	[sflag:s24] =	ssyncadd.s32 $0xFFFFF400  }
0x19f: {  	_ =	swait.ge [sflag:s24], $0xC00  }
0x1a0: {  	[sflag:s24] =	ssyncset.done $0x0  }
0x1a1: {  	[sflag:s24] =	ssyncadd.s32 $0xFFFFF400  }
0x1a2: {  	_ =	swait.ge [sflag:s24], $0xC00  }
0x1a3: {  	[sflag:s24] =	ssyncset.done $0x0  }
0x1a4: {  	[sflag:s24] =	ssyncadd.s32 $0xFFFFF400  }
0x1a5: {  	_ =	swait.ge [sflag:s24], $0xC00  }
0x1a6: {  	[sflag:s24] =	ssyncset.done $0x0  }
0x1a7: {  	[sflag:s24] =	ssyncadd.s32 $0xFFFFF400  }
0x1a8: {  	_ =	swait.ge [sflag:s24], $0xC00  }
0x1a9: {  	[sflag:s24] =	ssyncset.done $0x0  }
0x1aa: {  	[sflag:s24] =	ssyncadd.s32 $0xFFFFF400  }
0x1ab: {  	p0 =	sne.s32 s1, $0x1;
	_ =	swait.ge [sflag:s24], $0xC00  }
.Ltmp1:
0x1ac: {  	[sflag:s24] =	ssyncset.done $0x0;
	(pc) =	sbr.rel @p0 .LBB2_1-.Ltmp1, $4  }
0x1ad: {  	[sflag:s24] =	ssyncadd.s32 $0xFFFFF400  }
0x1ae: {  	_ =	swait.ge [sflag:s24], $0xC00  }
0x1af: {  	[sflag:s24] =	ssyncset.done $0x0  }
0x1b0: {  	s1 =	sadd.s32 $0xFFFFFFFF, s1;
	[sflag:s24] =	ssyncadd.s32 $0xFFFFF400  }
.LBB2_2:
0x1b1: {  	_ =	swait.ge [sflag:s24], $0xC00  }
0x1b2: {  	[sflag:s24] =	ssyncset.done $0x0  }
0x1b3: {  	[sflag:s24] =	ssyncadd.s32 $0xFFFFF400  }
0x1b4: {  	_ =	swait.ge [sflag:s24], $0xC00  }
0x1b5: {  	[sflag:s24] =	ssyncset.done $0x0  }
0x1b6: {  	[sflag:s24] =	ssyncadd.s32 $0xFFFFF400  }
0x1b7: {  	_ =	swait.ge [sflag:s24], $0xC00  }
0x1b8: {  	[sflag:s24] =	ssyncset.done $0x0  }
0x1b9: {  	[sflag:s24] =	ssyncadd.s32 $0xFFFFF400  }
0x1ba: {  	_ =	swait.ge [sflag:s24], $0xC00  }
0x1bb: {  	[sflag:s24] =	ssyncset.done $0x0  }
0x1bc: {  	[sflag:s24] =	ssyncadd.s32 $0xFFFFF400  }
0x1bd: {  	_ =	swait.ge [sflag:s24], $0xC00  }
0x1be: {  	[sflag:s24] =	ssyncset.done $0x0  }
0x1bf: {  	[sflag:s24] =	ssyncadd.s32 $0xFFFFF400  }
0x1c0: {  	_ =	swait.ge [sflag:s24], $0xC00  }
0x1c1: {  	[sflag:s24] =	ssyncset.done $0x0  }
0x1c2: {  	[sflag:s24] =	ssyncadd.s32 $0xFFFFF400  }
0x1c3: {  	_ =	sfence.sel $0x180000  }
0x1c4: {  	[bflag:$0x0] =	sbarrier.arrive $0xFFFF  }
0x1c5: {  	_ =	strace $0x90000047  }
0x1c6: {  	s0 =	stileid.u32;
	[bflag:$0x2] =	sbarrier.arrive $0xFFFF  }
0x1c7: {  	p0 =	sne.s32 s0, $0x0;
	s0 =	rddreg [dreg:$0x2]  }
0x1c8: {  	s0 =	sadd.s32 @!p0 $0x100000, s0  }
0x1c9: {  	[sflag:s0] =	ssyncadd.tile.s32 @!p0 $0x1;
	_ =	shalt  }
.Lfunc_end2:
_tile_overlayer_lowered:
.L_overlay_start_2:
0x1ca: {  	(tag) =	ssettag $0x2  }
0x1cb: {  	s0 =	rddreg [dreg:$0x0];
	s2 =	stileid.u32  }
0x1cc: {  	s1 =	rddreg [dreg:$0x1];
	p0 =	sne.s32 s2, $0x0  }
0x1cd: {  	s3 =	rddreg [dreg:$0x2];
	[bflag:$0x3] =	sbarrier.arrive $0xFFFF;
	s2 =	simm.s32 @!p0 $0x1C07  }
0x1ce: {  	[timem:s3], [sflag:s2] =	dma.local @!p0 [hbm:s0], s1  }
0x1cf: {  	s0 =	simm.s32 @!p0 $0x7  }
0x1d0: {  	_ =	swait.ge @!p0 [sflag:s0], s1  }
0x1d1: {  	s1 =	ssub.s32 @!p0 $0x0, s1;
	[sflag:s0] =	ssyncset.done @!p0 $0x0  }
0x1d2: {  	[sflag:s0] =	ssyncadd.s32 @!p0 s1  }
0x1d3: {  	[bflag:$0x3] =	sbarrier.arrive $0xFFFF  }
0x1d4: {  	_ =	shalt  }

</sc_bundles>
